<compile_context>
chip_gen: v7x
topology: tpu7x:2x2x1
jax: 0.10.2.dev20260603
libtpu: 0.0.44.dev20260713+nightly
codegen_flags: <defaults>
</compile_context>

<pallas_src>
import functools

import jax
import jax.numpy as jnp
from jax import lax
from jax.experimental import pallas as pl
from jax.experimental.pallas import tpu as pltpu
from jax.experimental.pallas import tpu_sc as plsc

B, IN_DIM, HID, EMB, K, L = 8, 128, 768, 256, 8192, 2048
T = L // 4
NTOK = B * T
F32 = jnp.float32
_KC = 2048


def _mm(a, b):
    return jnp.dot(a, b, preferred_element_type=F32)


def _mmt(a, b, precision=None):
    return lax.dot_general(a, b, (((1,), (1,)), ((), ())),
                           precision=precision, preferred_element_type=F32)



def _encq_body(xp_ref, w1_ref, b1_ref, w2_ref, b2_ref, w3_ref,
               b3_ref, cb_ref, idx_ref, loss_ref, perp_ref, ep_ref, op_ref,
               hp_ref, cn_ref, cnt_ref, acc_ref):
    pid = pl.program_id(0)
    zrow = jnp.zeros((1, HID), F32)
    b1 = b1_ref[0, :][None, :]
    a0 = xp_ref[0, 0:L, :].reshape(T, 4 * IN_DIM)
    a1 = xp_ref[0, 2:L + 2, :].reshape(T, 4 * IN_DIM)
    he = jnp.maximum(_mm(a0, w1_ref[...]) + b1, 0.0)
    ho = jnp.maximum(_mm(a1, w1_ref[...]) + b1, 0.0)
    ep_ref[0:1, :] = zrow
    ep_ref[T + 1:T + 2, :] = zrow
    ep_ref[1:T + 1, :] = he
    op_ref[0:1, :] = zrow
    op_ref[T + 1:T + 2, :] = zrow
    op_ref[1:T + 1, :] = ho
    b2 = b2_ref[0, :][None, :]
    h2 = (_mm(op_ref[0:T, :], w2_ref[0]) + _mm(ep_ref[1:T + 1, :], w2_ref[1])
          + _mm(op_ref[1:T + 1, :], w2_ref[2]) + _mm(ep_ref[2:T + 2, :], w2_ref[3]) + b2)
    h2 = jnp.maximum(h2, 0.0)
    hp_ref[0:1, :] = zrow
    hp_ref[T + 1:T + 2, :] = zrow
    hp_ref[1:T + 1, :] = h2
    zb = b3_ref[0, :][None, :]
    for j in range(3):
        zb = zb + _mm(hp_ref[j:T + j, :], w3_ref[j])
    zn = jnp.sum(zb * zb, axis=1, keepdims=True)

    @pl.when(pid == 0)
    def _():
        cbt_all = cb_ref[...]
        cn_ref[...] = 0.25 * jnp.sum(cbt_all * cbt_all, axis=0, keepdims=True)

    best_v = jnp.full((T, 1), jnp.inf, F32)
    best_i = jnp.zeros((T, 1), jnp.int32)
    for kc in range(K // _KC):
        cbt = cb_ref[:, kc * _KC:(kc + 1) * _KC]
        cn = cn_ref[0:1, kc * _KC:(kc + 1) * _KC]
        d = zn + cn + _mm(zb, cbt)
        m = jnp.min(d, axis=1, keepdims=True)
        ids = lax.broadcasted_iota(jnp.int32, (T, _KC), 1) + kc * _KC
        i = jnp.min(jnp.where(d == m, ids, K), axis=1, keepdims=True)
        upd = m < best_v
        best_i = jnp.where(upd, i, best_i)
        best_v = jnp.where(upd, m, best_v)
    idx_ref[0, 0, :] = best_i[:, 0]
    ones_col = jnp.ones((1, T), F32)
    for kc in range(K // _KC):
        ids = lax.broadcasted_iota(jnp.int32, (1, _KC), 1) + kc * _KC
        oh = (best_i == ids).astype(F32)
        cnt = _mm(ones_col, oh)[0, :]
        sl = pl.ds(kc * _KC, _KC)

        @pl.when(pid == 0)
        def _():
            cnt_ref[0, sl] = cnt

        @pl.when(pid != 0)
        def _():
            cnt_ref[0, sl] = cnt_ref[0, sl] + cnt
    s = jnp.sum(best_v)

    @pl.when(pid == 0)
    def _():
        acc_ref[0, 0] = s

    @pl.when(pid != 0)
    def _():
        acc_ref[0, 0] = acc_ref[0, 0] + s

    @pl.when(pid == B - 1)
    def _():
        p = cnt_ref[0, :] * (1.0 / NTOK)
        ent = -jnp.sum(p * jnp.log(p + 1e-10))
        perp_ref[...] = jnp.full((1, 1), jnp.exp(ent), F32)
        loss_ref[...] = jnp.full((1, 1), 1.25 * acc_ref[0, 0] / (NTOK * EMB), F32)


def _encq(xp, w1, b1, w2, b2, w3, b3, cb):
    return pl.pallas_call(
        _encq_body,
        grid=(B,),
        in_specs=[
            pl.BlockSpec((1, L + 2, IN_DIM), lambda i: (i, 0, 0)),
            pl.BlockSpec((4 * IN_DIM, HID), lambda i: (0, 0)),
            pl.BlockSpec((1, HID), lambda i: (0, 0)),
            pl.BlockSpec((4, HID, HID), lambda i: (0, 0, 0)),
            pl.BlockSpec((1, HID), lambda i: (0, 0)),
            pl.BlockSpec((3, HID, EMB), lambda i: (0, 0, 0)),
            pl.BlockSpec((1, EMB), lambda i: (0, 0)),
            pl.BlockSpec((EMB, K), lambda i: (0, 0)),
        ],
        out_specs=[
            pl.BlockSpec((1, 1, T), lambda i: (i, 0, 0)),
            pl.BlockSpec((1, 1), lambda i: (0, 0)),
            pl.BlockSpec((1, 1), lambda i: (0, 0)),
        ],
        out_shape=[
            jax.ShapeDtypeStruct((B, 1, T), jnp.int32),
            jax.ShapeDtypeStruct((1, 1), F32),
            jax.ShapeDtypeStruct((1, 1), F32),
        ],
        scratch_shapes=[
            pltpu.VMEM((T + 2, HID), F32),
            pltpu.VMEM((T + 2, HID), F32),
            pltpu.VMEM((T + 2, HID), F32),
            pltpu.VMEM((1, K), F32),
            pltpu.VMEM((1, K), F32),
            pltpu.SMEM((1, 1), F32),
        ],
    )(xp, w1, b1, w2, b2, w3, b3, cb)



def _sc_gather(codebook, idx_flat):
    info = plsc.get_sparse_core_info()
    nc, ns = info.num_cores, info.num_subcores
    nw = nc * ns
    bpw = NTOK // nw
    mesh = plsc.VectorSubcoreMesh(core_axis_name="c", subcore_axis_name="s")

    @functools.partial(
        pl.kernel,
        mesh=mesh,
        out_type=jax.ShapeDtypeStruct((NTOK, EMB), F32),
        scratch_types=[
            pltpu.VMEM((bpw,), jnp.int32),
            pltpu.VMEM((bpw, EMB), F32),
            pltpu.SemaphoreType.DMA,
        ],
    )
    def gk(cb_hbm, idx_hbm, out_hbm, idx_v, rows_v, sem):
        wid = lax.axis_index("s") * nc + lax.axis_index("c")
        base = wid * bpw
        pltpu.sync_copy(idx_hbm.at[pl.ds(base, bpw)], idx_v)
        pltpu.async_copy(cb_hbm.at[idx_v], rows_v, sem).wait()
        pltpu.sync_copy(rows_v, out_hbm.at[pl.ds(base, bpw)])

    return gk(codebook, idx_flat)



def _dec_body(q_ref, w1_ref, b1_ref, w2_ref, b2_ref, w3_ref, b3_ref,
              out_ref, qp_ref, dp_ref, ep_ref, op_ref):
    qp_ref[0:1, :] = jnp.zeros((1, EMB), F32)
    qp_ref[T + 1:T + 2, :] = jnp.zeros((1, EMB), F32)
    qp_ref[1:T + 1, :] = q_ref[0]
    d1 = b1_ref[0, :][None, :]
    for j in range(3):
        d1 = d1 + _mm(qp_ref[j:T + j, :], w1_ref[j])
    d1 = jnp.maximum(d1, 0.0)
    zrow = jnp.zeros((1, HID), F32)
    dp_ref[0:1, :] = zrow
    dp_ref[T + 1:T + 2, :] = zrow
    dp_ref[1:T + 1, :] = d1
    b2 = b2_ref[0, :][None, :]
    ev = jnp.maximum(_mm(dp_ref[1:T + 1, :], w2_ref[1]) + _mm(dp_ref[0:T, :], w2_ref[3]) + b2, 0.0)
    od = jnp.maximum(_mm(dp_ref[2:T + 2, :], w2_ref[0]) + _mm(dp_ref[1:T + 1, :], w2_ref[2]) + b2, 0.0)
    ep_ref[0:1, :] = zrow
    ep_ref[T + 1:T + 2, :] = zrow
    ep_ref[1:T + 1, :] = ev
    op_ref[0:1, :] = zrow
    op_ref[T + 1:T + 2, :] = zrow
    op_ref[1:T + 1, :] = od
    b3 = b3_ref[0, :][None, :]
    out_ref[0, 0] = _mm(ep_ref[1:T + 1, :], w3_ref[1]) + _mm(op_ref[0:T, :], w3_ref[3]) + b3
    out_ref[0, 1] = _mm(op_ref[1:T + 1, :], w3_ref[0]) + _mm(ep_ref[1:T + 1, :], w3_ref[2]) + b3
    out_ref[0, 2] = _mm(op_ref[1:T + 1, :], w3_ref[1]) + _mm(ep_ref[1:T + 1, :], w3_ref[3]) + b3
    out_ref[0, 3] = _mm(ep_ref[2:T + 2, :], w3_ref[0]) + _mm(op_ref[1:T + 1, :], w3_ref[2]) + b3


def _decode(q, w1, b1, w2, b2, w3, b3):
    return pl.pallas_call(
        _dec_body,
        grid=(B,),
        in_specs=[
            pl.BlockSpec((1, T, EMB), lambda i: (i, 0, 0)),
            pl.BlockSpec((3, EMB, HID), lambda i: (0, 0, 0)),
            pl.BlockSpec((1, HID), lambda i: (0, 0)),
            pl.BlockSpec((4, HID, HID), lambda i: (0, 0, 0)),
            pl.BlockSpec((1, HID), lambda i: (0, 0)),
            pl.BlockSpec((4, HID, IN_DIM), lambda i: (0, 0, 0)),
            pl.BlockSpec((1, IN_DIM), lambda i: (0, 0)),
        ],
        out_specs=pl.BlockSpec((1, 4, T, IN_DIM), lambda i: (i, 0, 0, 0)),
        out_shape=jax.ShapeDtypeStruct((B, 4, T, IN_DIM), F32),
        scratch_shapes=[
            pltpu.VMEM((T + 2, EMB), F32),
            pltpu.VMEM((T + 2, HID), F32),
            pltpu.VMEM((T + 2, HID), F32),
            pltpu.VMEM((T + 2, HID), F32),
        ],
    )(q, w1, b1, w2, b2, w3, b3)



def kernel(x, enc_w1, enc_b1, enc_w2, enc_b2, enc_w3, enc_b3, codebook,
           dec_w1, dec_b1, dec_w2, dec_b2, dec_w3, dec_b3):
    xpad = jnp.pad(jnp.transpose(x, (0, 2, 1)), ((0, 0), (1, 1), (0, 0)))
    we1 = enc_w1.transpose(2, 1, 0).reshape(4 * IN_DIM, HID)
    we2 = enc_w2.transpose(2, 1, 0)
    we3 = enc_w3.transpose(2, 1, 0)

    idx3, loss, perp = _encq(xpad, we1, enc_b1.reshape(1, HID), we2,
                             enc_b2.reshape(1, HID), we3, enc_b3.reshape(1, EMB),
                             -2.0 * codebook.T)

    q = _sc_gather(codebook, idx3.reshape(NTOK)).reshape(B, T, EMB)

    wd1 = dec_w1.transpose(2, 1, 0)
    wd2 = dec_w2.transpose(2, 0, 1)
    wd3 = dec_w3.transpose(2, 0, 1)
    streams = _decode(q, wd1, dec_b1.reshape(1, HID), wd2,
                      dec_b2.reshape(1, HID), wd3, dec_b3.reshape(1, IN_DIM))
    x_recon = streams.transpose(0, 3, 2, 1).reshape(B, IN_DIM, L)
    return (loss.reshape(()), x_recon, perp.reshape(()))

# --- scband reference (transcript-rebuilt; emitter-appended) ---
"""Pipeline reference for scband-vqvae-24369644437724 (READ-ONLY COPY).

The authoritative reference and input builder live on the scoring server;
editing this copy changes nothing except your own understanding.
"""

import jax, jax.numpy as jnp
import numpy as np

B, IN_DIM, HID, EMB, K, L = 8, 128, 768, 256, 8192, 2048

def conv1d(x, w, b, stride, pad):
    out = jax.lax.conv_general_dilated(x, w, (stride,), [(pad, pad)], dimension_numbers=('NCH', 'OIH', 'NCH'))
    return out + b[None, :, None]

def convT1d(x, w, b, stride, pad):
    k = w.shape[2]
    out = jax.lax.conv_general_dilated(x, w[:, :, ::-1], (1,), [(k - 1 - pad, k - 1 - pad)], lhs_dilation=(stride,), dimension_numbers=('NCH', 'IOH', 'NCH'))
    return out + b[None, :, None]

def setup_inputs(seed: int = 0) -> dict:
    key = jax.random.key(seed)
    ks = jax.random.split(key, 16)
    x = jax.random.normal(ks[0], (B, IN_DIM, L), dtype=jnp.float32)
    s = 0.02
    enc_w1 = jax.random.normal(ks[1], (HID, IN_DIM, 4), dtype=jnp.float32) * s
    enc_b1 = jnp.zeros((HID,), dtype=jnp.float32)
    enc_w2 = jax.random.normal(ks[2], (HID, HID, 4), dtype=jnp.float32) * s
    enc_b2 = jnp.zeros((HID,), dtype=jnp.float32)
    enc_w3 = jax.random.normal(ks[3], (EMB, HID, 3), dtype=jnp.float32) * s
    enc_b3 = jnp.zeros((EMB,), dtype=jnp.float32)
    codebook = jax.random.uniform(ks[4], (K, EMB), dtype=jnp.float32, minval=-1.0 / K, maxval=1.0 / K)
    dec_w1 = jax.random.normal(ks[5], (HID, EMB, 3), dtype=jnp.float32) * s
    dec_b1 = jnp.zeros((HID,), dtype=jnp.float32)
    dec_w2 = jax.random.normal(ks[6], (HID, HID, 4), dtype=jnp.float32) * s
    dec_b2 = jnp.zeros((HID,), dtype=jnp.float32)
    dec_w3 = jax.random.normal(ks[7], (HID, IN_DIM, 4), dtype=jnp.float32) * s
    dec_b3 = jnp.zeros((IN_DIM,), dtype=jnp.float32)
    return {"x": x, "enc_w1": enc_w1, "enc_b1": enc_b1, "enc_w2": enc_w2, "enc_b2": enc_b2, "enc_w3": enc_w3, "enc_b3": enc_b3, "codebook": codebook, "dec_w1": dec_w1, "dec_b1": dec_b1, "dec_w2": dec_w2, "dec_b2": dec_b2, "dec_w3": dec_w3, "dec_b3": dec_b3}

def reference(x, enc_w1, enc_b1, enc_w2, enc_b2, enc_w3, enc_b3, codebook, dec_w1, dec_b1, dec_w2, dec_b2, dec_w3, dec_b3):
    # Encoder
    h = jax.nn.relu(conv1d(x, enc_w1, enc_b1, 2, 1))
    h = jax.nn.relu(conv1d(h, enc_w2, enc_b2, 2, 1))
    z = conv1d(h, enc_w3, enc_b3, 1, 1)  # (B, EMB, L/4)
    # Quantizer
    inputs = jnp.transpose(z, (0, 2, 1))  # (B, T, EMB)
    input_shape = inputs.shape
    flat = inputs.reshape(-1, EMB)
    distances = jnp.sum(flat ** 2, axis=1, keepdims=True) + jnp.sum(codebook ** 2, axis=1) - 2.0 * jnp.matmul(flat, codebook.T)
    encoding_indices = jnp.argmin(distances, axis=1)
    encodings = jax.nn.one_hot(encoding_indices, K, dtype=jnp.float32)
    quantized = jnp.matmul(encodings, codebook).reshape(input_shape)
    e_latent_loss = jnp.mean((jax.lax.stop_gradient(quantized) - inputs) ** 2)
    q_latent_loss = jnp.mean((quantized - jax.lax.stop_gradient(inputs)) ** 2)
    loss = q_latent_loss + 0.25 * e_latent_loss
    quantized_st = inputs + jax.lax.stop_gradient(quantized - inputs)
    avg_probs = jnp.mean(encodings, axis=0)
    perplexity = jnp.exp(-jnp.sum(avg_probs * jnp.log(avg_probs + 1e-10)))
    q = jnp.transpose(quantized_st, (0, 2, 1))  # (B, EMB, T)
    # Decoder
    d = jax.nn.relu(conv1d(q, dec_w1, dec_b1, 1, 1))
    d = jax.nn.relu(convT1d(d, dec_w2, dec_b2, 2, 1))
    x_recon = convT1d(d, dec_w3, dec_b3, 2, 1)
    return (loss, x_recon, perplexity)

if __name__ == "__main__":
    import jax
    _d = setup_inputs()
    print(jax.jit(kernel)(*tuple(_d.values())))

</pallas_src>

<mosaic_0001>
#map = affine_map<(d0, d1) -> (0, 0)>
#map1 = affine_map<(d0, d1) -> (0)>
module attributes {stable_mosaic.version = 14 : i64} {
  func.func @gk(%arg0: i32, %arg1: i32, %arg2: memref<8192x256xf32, #tpu.memory_space<hbm>>, %arg3: memref<4096xi32, #tpu.memory_space<hbm>>, %arg4: memref<4096x256xf32, #tpu.memory_space<hbm>>, %arg5: memref<128xi32, #tpu.memory_space<vmem>>, %arg6: memref<128x256xf32, #tpu.memory_space<vmem>>, %arg7: memref<!tpu.dma_semaphore, #tpu.memory_space<semaphore_mem>>) attributes {dimension_semantics = [#tpu.dimension_semantics<core_parallel>, #tpu.dimension_semantics<subcore_parallel>], iteration_bounds = array<i64: 2, 16>, scalar_prefetch = 0 : i64, scratch_operands = 3 : i64, tpu.core_type = #tpu.core_type<sc_vector_subcore>, window_params = [{transform_indices = #map}, {transform_indices = #map1}, {transform_indices = #map}]} {
    %mul3A = arith.constant 2 : i32
    %mul3A_0 = arith.muli %arg1, %mul3A : i32
    %add3A = arith.addi %mul3A_0, %arg0 : i32
    %mul3A_1 = arith.constant 128 : i32
    %mul3A_2 = arith.muli %add3A, %mul3A_1 : i32
    "tpu.region"() ({
      %run_scoped3A = tpu.sem_alloc : memref<!tpu.dma_semaphore, #tpu.memory_space<semaphore_mem>>
      %dma_start3A_7 = tpu.memref_slice %arg3[%mul3A_2] : memref<4096xi32, #tpu.memory_space<hbm>> -> memref<128xi32, #tpu.memory_space<hbm>>
      %dma_start3A_8 = tpu.memref_slice %arg3[%mul3A_2] : memref<4096xi32, #tpu.memory_space<hbm>> -> memref<128xi32, #tpu.memory_space<hbm>>
      tpu.enqueue_dma source(%dma_start3A_8 : memref<128xi32, #tpu.memory_space<hbm>>) target(%arg5 : memref<128xi32, #tpu.memory_space<vmem>>) target_semaphore(%run_scoped3A : memref<!tpu.dma_semaphore, #tpu.memory_space<semaphore_mem>>)
      %dma_wait3A_9 = tpu.memref_slice %arg3[%mul3A_2] : memref<4096xi32, #tpu.memory_space<hbm>> -> memref<128xi32, #tpu.memory_space<hbm>>
      %dma_wait3A_10 = tpu.memref_slice %arg3[%mul3A_2] : memref<4096xi32, #tpu.memory_space<hbm>> -> memref<128xi32, #tpu.memory_space<hbm>>
      tpu.wait_dma2 semaphore(%run_scoped3A : memref<!tpu.dma_semaphore, #tpu.memory_space<semaphore_mem>>) src(%dma_wait3A_10 : memref<128xi32, #tpu.memory_space<hbm>>) dst(%arg5 : memref<128xi32, #tpu.memory_space<vmem>>)
      tpu.yield
    }) : () -> ()
    %dma_start3A = arith.constant 0 : i32
    %dma_start3A_3 = arith.constant 0 : i32
    %dma_start3A_4 = tpu.memref_slice %arg2[%dma_start3A, %dma_start3A_3] : memref<8192x256xf32, #tpu.memory_space<hbm>> -> memref<8192x256xf32, #tpu.memory_space<hbm>>
    tpu.enqueue_indirect_dma source(%dma_start3A_4 : memref<8192x256xf32, #tpu.memory_space<hbm>>) target(%arg6 : memref<128x256xf32, #tpu.memory_space<vmem>>) offsets(%arg5 : memref<128xi32, #tpu.memory_space<vmem>>) semaphore(%arg7 : memref<!tpu.dma_semaphore, #tpu.memory_space<semaphore_mem>>)
    %dma_wait3A = arith.constant 0 : i32
    %dma_wait3A_5 = arith.constant 0 : i32
    %dma_wait3A_6 = tpu.memref_slice %arg2[%dma_wait3A, %dma_wait3A_5] : memref<8192x256xf32, #tpu.memory_space<hbm>> -> memref<8192x256xf32, #tpu.memory_space<hbm>>
    tpu.wait_indirect_dma semaphore(%arg7 : memref<!tpu.dma_semaphore, #tpu.memory_space<semaphore_mem>>) src(%dma_wait3A_6 : memref<8192x256xf32, #tpu.memory_space<hbm>>) dst(%arg6 : memref<128x256xf32, #tpu.memory_space<vmem>>)
    "tpu.region"() ({
      %run_scoped3A = tpu.sem_alloc : memref<!tpu.dma_semaphore, #tpu.memory_space<semaphore_mem>>
      %dma_start3A_7 = arith.constant 0 : i32
      %dma_start3A_8 = tpu.memref_slice %arg4[%mul3A_2, %dma_start3A_7] : memref<4096x256xf32, #tpu.memory_space<hbm>> -> memref<128x256xf32, #tpu.memory_space<hbm>>
      %dma_start3A_9 = arith.constant 0 : i32
      %dma_start3A_10 = tpu.memref_slice %arg4[%mul3A_2, %dma_start3A_9] : memref<4096x256xf32, #tpu.memory_space<hbm>> -> memref<128x256xf32, #tpu.memory_space<hbm>>
      tpu.enqueue_dma source(%arg6 : memref<128x256xf32, #tpu.memory_space<vmem>>) target(%dma_start3A_10 : memref<128x256xf32, #tpu.memory_space<hbm>>) target_semaphore(%run_scoped3A : memref<!tpu.dma_semaphore, #tpu.memory_space<semaphore_mem>>)
      %dma_wait3A_11 = arith.constant 0 : i32
      %dma_wait3A_12 = tpu.memref_slice %arg4[%mul3A_2, %dma_wait3A_11] : memref<4096x256xf32, #tpu.memory_space<hbm>> -> memref<128x256xf32, #tpu.memory_space<hbm>>
      %dma_wait3A_13 = arith.constant 0 : i32
      %dma_wait3A_14 = tpu.memref_slice %arg4[%mul3A_2, %dma_wait3A_13] : memref<4096x256xf32, #tpu.memory_space<hbm>> -> memref<128x256xf32, #tpu.memory_space<hbm>>
      tpu.wait_dma2 semaphore(%run_scoped3A : memref<!tpu.dma_semaphore, #tpu.memory_space<semaphore_mem>>) src(%arg6 : memref<128x256xf32, #tpu.memory_space<vmem>>) dst(%dma_wait3A_14 : memref<128x256xf32, #tpu.memory_space<hbm>>)
      tpu.yield
    }) : () -> ()
    return
  }
}

module attributes {stable_mosaic.version = 14 : i64} {
  func.func @_encq_body(%arg0: i32, %arg1: memref<1x2050x128xf32, #tpu.memory_space<vmem>>, %arg2: memref<512x768xf32, #tpu.memory_space<vmem>>, %arg3: memref<1x768xf32, #tpu.memory_space<vmem>>, %arg4: memref<4x768x768xf32, #tpu.memory_space<vmem>>, %arg5: memref<1x768xf32, #tpu.memory_space<vmem>>, %arg6: memref<3x768x256xf32, #tpu.memory_space<vmem>>, %arg7: memref<1x256xf32, #tpu.memory_space<vmem>>, %arg8: memref<256x8192xf32, #tpu.memory_space<vmem>>, %arg9: memref<1x1x512xi32, #tpu.memory_space<vmem>>, %arg10: memref<1x1xf32, #tpu.memory_space<vmem>>, %arg11: memref<1x1xf32, #tpu.memory_space<vmem>>, %arg12: memref<514x768xf32, #tpu.memory_space<vmem>>, %arg13: memref<514x768xf32, #tpu.memory_space<vmem>>, %arg14: memref<514x768xf32, #tpu.memory_space<vmem>>, %arg15: memref<1x8192xf32, #tpu.memory_space<vmem>>, %arg16: memref<1x8192xf32, #tpu.memory_space<vmem>>, %arg17: memref<1x1xf32, #tpu.memory_space<smem>>) attributes {dimension_semantics = [#tpu.dimension_semantics<arbitrary>], iteration_bounds = array<i64: 8>, scalar_prefetch = 0 : i64, scratch_operands = 6 : i64, tpu.core_type = #tpu.core_type<tc>, window_params = [{transform_indices = @transform_0, window_bounds = array<i64: 1, 2050, 128>}, {pipeline_mode = #tpu.pipeline_mode<synchronous>, transform_indices = @transform_1, window_bounds = array<i64: 512, 768>}, {pipeline_mode = #tpu.pipeline_mode<synchronous>, transform_indices = @transform_2, window_bounds = array<i64: 1, 768>}, {pipeline_mode = #tpu.pipeline_mode<synchronous>, transform_indices = @transform_3, window_bounds = array<i64: 4, 768, 768>}, {pipeline_mode = #tpu.pipeline_mode<synchronous>, transform_indices = @transform_4, window_bounds = array<i64: 1, 768>}, {pipeline_mode = #tpu.pipeline_mode<synchronous>, transform_indices = @transform_5, window_bounds = array<i64: 3, 768, 256>}, {pipeline_mode = #tpu.pipeline_mode<synchronous>, transform_indices = @transform_6, window_bounds = array<i64: 1, 256>}, {pipeline_mode = #tpu.pipeline_mode<synchronous>, transform_indices = @transform_7, window_bounds = array<i64: 256, 8192>}, {transform_indices = @transform_8, window_bounds = array<i64: 1, 1, 512>}, {pipeline_mode = #tpu.pipeline_mode<synchronous>, transform_indices = @transform_9, window_bounds = array<i64: 1, 1>}, {pipeline_mode = #tpu.pipeline_mode<synchronous>, transform_indices = @transform_10, window_bounds = array<i64: 1, 1>}]} {
    %broadcast_in_dim3A = arith.constant 0.000000e+00 : f32
    %broadcast_in_dim3A_0 = vector.broadcast %broadcast_in_dim3A : f32 to vector<1x768xf32>
    %get3A = arith.constant 0 : index
    %get3A_1 = arith.constant 0 : index
    %get3A_2 = vector.load %arg3[%get3A, %get3A_1] : memref<1x768xf32, #tpu.memory_space<vmem>>, vector<1x768xf32>
    %get3A_3 = vector.shape_cast %get3A_2 : vector<1x768xf32> to vector<768xf32>
    %broadcast_in_dim3A_4 = vector.shape_cast %get3A_3 : vector<768xf32> to vector<1x768xf32>
    %get3A_5 = arith.constant 0 : index
    %get3A_6 = arith.constant 0 : index
    %get3A_7 = arith.constant 0 : index
    %get3A_8 = vector.load %arg1[%get3A_5, %get3A_6, %get3A_7] : memref<1x2050x128xf32, #tpu.memory_space<vmem>>, vector<1x2048x128xf32>
    %get3A_9 = vector.shape_cast %get3A_8 : vector<1x2048x128xf32> to vector<2048x128xf32>
    %reshape3A = vector.shape_cast %get3A_9 : vector<2048x128xf32> to vector<512x512xf32>
    %get3A_10 = arith.constant 0 : index
    %get3A_11 = arith.constant 2 : index
    %get3A_12 = arith.constant 0 : index
    %get3A_13 = vector.load %arg1[%get3A_10, %get3A_11, %get3A_12] : memref<1x2050x128xf32, #tpu.memory_space<vmem>>, vector<1x2048x128xf32>
    %get3A_14 = vector.shape_cast %get3A_13 : vector<1x2048x128xf32> to vector<2048x128xf32>
    %reshape3A_15 = vector.shape_cast %get3A_14 : vector<2048x128xf32> to vector<512x512xf32>
    %get3A_16 = arith.constant 0 : index
    %get3A_17 = arith.constant 0 : index
    %get3A_18 = vector.load %arg2[%get3A_16, %get3A_17] : memref<512x768xf32, #tpu.memory_space<vmem>>, vector<512x768xf32>
    %dot_general3A = arith.constant dense<0.000000e+00> : vector<512x768xf32>
    %dot_general3A_19 = tpu.matmul %reshape3A, %get3A_18, %dot_general3A {dimension_numbers = #tpu.dot_dimension_numbers<[1], [0], [0], [1], [0, 0, 1, 1], [], []>, transpose_lhs_hint = false} : vector<512x512xf32>, vector<512x768xf32>, vector<512x768xf32> -> vector<512x768xf32>
    %add3A = vector.broadcast %broadcast_in_dim3A_4 : vector<1x768xf32> to vector<512x768xf32>
    %add3A_20 = arith.addf %dot_general3A_19, %add3A : vector<512x768xf32>
    %max3A = arith.constant 0.000000e+00 : f32
    %max3A_21 = vector.broadcast %max3A : f32 to vector<512x768xf32>
    %max3A_22 = arith.maximumf %add3A_20, %max3A_21 : vector<512x768xf32>
    %get3A_23 = arith.constant 0 : index
    %get3A_24 = arith.constant 0 : index
    %get3A_25 = vector.load %arg2[%get3A_23, %get3A_24] : memref<512x768xf32, #tpu.memory_space<vmem>>, vector<512x768xf32>
    %dot_general3A_26 = arith.constant dense<0.000000e+00> : vector<512x768xf32>
    %dot_general3A_27 = tpu.matmul %reshape3A_15, %get3A_25, %dot_general3A_26 {dimension_numbers = #tpu.dot_dimension_numbers<[1], [0], [0], [1], [0, 0, 1, 1], [], []>, transpose_lhs_hint = false} : vector<512x512xf32>, vector<512x768xf32>, vector<512x768xf32> -> vector<512x768xf32>
    %add3A_28 = vector.broadcast %broadcast_in_dim3A_4 : vector<1x768xf32> to vector<512x768xf32>
    %add3A_29 = arith.addf %dot_general3A_27, %add3A_28 : vector<512x768xf32>
    %max3A_30 = arith.constant 0.000000e+00 : f32
    %max3A_31 = vector.broadcast %max3A_30 : f32 to vector<512x768xf32>
    %max3A_32 = arith.maximumf %add3A_29, %max3A_31 : vector<512x768xf32>
    %swap3A = arith.constant 0 : index
    %swap3A_33 = arith.constant 0 : index
    %swap3A_34 = vector.load %arg12[%swap3A, %swap3A_33] : memref<514x768xf32, #tpu.memory_space<vmem>>, vector<1x768xf32>
    tpu.vector_store %arg12[%swap3A, %swap3A_33], %broadcast_in_dim3A_0 {strides = array<i32>} : memref<514x768xf32, #tpu.memory_space<vmem>>, vector<1x768xf32>,
    %swap3A_35 = arith.constant 513 : index
    %swap3A_36 = arith.constant 0 : index
    %swap3A_37 = vector.load %arg12[%swap3A_35, %swap3A_36] : memref<514x768xf32, #tpu.memory_space<vmem>>, vector<1x768xf32>
    tpu.vector_store %arg12[%swap3A_35, %swap3A_36], %broadcast_in_dim3A_0 {strides = array<i32>} : memref<514x768xf32, #tpu.memory_space<vmem>>, vector<1x768xf32>,
    %swap3A_38 = arith.constant 1 : index
    %swap3A_39 = arith.constant 0 : index
    %swap3A_40 = vector.load %arg12[%swap3A_38, %swap3A_39] : memref<514x768xf32, #tpu.memory_space<vmem>>, vector<512x768xf32>
    tpu.vector_store %arg12[%swap3A_38, %swap3A_39], %max3A_22 {strides = array<i32>} : memref<514x768xf32, #tpu.memory_space<vmem>>, vector<512x768xf32>,
    %swap3A_41 = arith.constant 0 : index
    %swap3A_42 = arith.constant 0 : index
    %swap3A_43 = vector.load %arg13[%swap3A_41, %swap3A_42] : memref<514x768xf32, #tpu.memory_space<vmem>>, vector<1x768xf32>
    tpu.vector_store %arg13[%swap3A_41, %swap3A_42], %broadcast_in_dim3A_0 {strides = array<i32>} : memref<514x768xf32, #tpu.memory_space<vmem>>, vector<1x768xf32>,
    %swap3A_44 = arith.constant 513 : index
    %swap3A_45 = arith.constant 0 : index
    %swap3A_46 = vector.load %arg13[%swap3A_44, %swap3A_45] : memref<514x768xf32, #tpu.memory_space<vmem>>, vector<1x768xf32>
    tpu.vector_store %arg13[%swap3A_44, %swap3A_45], %broadcast_in_dim3A_0 {strides = array<i32>} : memref<514x768xf32, #tpu.memory_space<vmem>>, vector<1x768xf32>,
    %swap3A_47 = arith.constant 1 : index
    %swap3A_48 = arith.constant 0 : index
    %swap3A_49 = vector.load %arg13[%swap3A_47, %swap3A_48] : memref<514x768xf32, #tpu.memory_space<vmem>>, vector<512x768xf32>
    tpu.vector_store %arg13[%swap3A_47, %swap3A_48], %max3A_32 {strides = array<i32>} : memref<514x768xf32, #tpu.memory_space<vmem>>, vector<512x768xf32>,
    %get3A_50 = arith.constant 0 : index
    %get3A_51 = arith.constant 0 : index
    %get3A_52 = vector.load %arg5[%get3A_50, %get3A_51] : memref<1x768xf32, #tpu.memory_space<vmem>>, vector<1x768xf32>
    %get3A_53 = vector.shape_cast %get3A_52 : vector<1x768xf32> to vector<768xf32>
    %broadcast_in_dim3A_54 = vector.shape_cast %get3A_53 : vector<768xf32> to vector<1x768xf32>
    %get3A_55 = arith.constant 0 : index
    %get3A_56 = arith.constant 0 : index
    %get3A_57 = vector.load %arg13[%get3A_55, %get3A_56] : memref<514x768xf32, #tpu.memory_space<vmem>>, vector<512x768xf32>
    %get3A_58 = arith.constant 0 : index
    %get3A_59 = arith.constant 0 : index
    %get3A_60 = arith.constant 0 : index
    %get3A_61 = vector.load %arg4[%get3A_58, %get3A_59, %get3A_60] : memref<4x768x768xf32, #tpu.memory_space<vmem>>, vector<1x768x768xf32>
    %get3A_62 = vector.shape_cast %get3A_61 : vector<1x768x768xf32> to vector<768x768xf32>
    %dot_general3A_63 = arith.constant dense<0.000000e+00> : vector<512x768xf32>
    %dot_general3A_64 = tpu.matmul %get3A_57, %get3A_62, %dot_general3A_63 {dimension_numbers = #tpu.dot_dimension_numbers<[1], [0], [0], [1], [0, 0, 1, 1], [], []>, transpose_lhs_hint = false} : vector<512x768xf32>, vector<768x768xf32>, vector<512x768xf32> -> vector<512x768xf32>
    %get3A_65 = arith.constant 1 : index
    %get3A_66 = arith.constant 0 : index
    %get3A_67 = vector.load %arg12[%get3A_65, %get3A_66] : memref<514x768xf32, #tpu.memory_space<vmem>>, vector<512x768xf32>
    %get3A_68 = arith.constant 1 : index
    %get3A_69 = arith.constant 0 : index
    %get3A_70 = arith.constant 0 : index
    %get3A_71 = vector.load %arg4[%get3A_68, %get3A_69, %get3A_70] : memref<4x768x768xf32, #tpu.memory_space<vmem>>, vector<1x768x768xf32>
    %get3A_72 = vector.shape_cast %get3A_71 : vector<1x768x768xf32> to vector<768x768xf32>
    %dot_general3A_73 = arith.constant dense<0.000000e+00> : vector<512x768xf32>
    %dot_general3A_74 = tpu.matmul %get3A_67, %get3A_72, %dot_general3A_73 {dimension_numbers = #tpu.dot_dimension_numbers<[1], [0], [0], [1], [0, 0, 1, 1], [], []>, transpose_lhs_hint = false} : vector<512x768xf32>, vector<768x768xf32>, vector<512x768xf32> -> vector<512x768xf32>
    %add3A_75 = arith.addf %dot_general3A_64, %dot_general3A_74 : vector<512x768xf32>
    %get3A_76 = arith.constant 1 : index
    %get3A_77 = arith.constant 0 : index
    %get3A_78 = vector.load %arg13[%get3A_76, %get3A_77] : memref<514x768xf32, #tpu.memory_space<vmem>>, vector<512x768xf32>
    %get3A_79 = arith.constant 2 : index
    %get3A_80 = arith.constant 0 : index
    %get3A_81 = arith.constant 0 : index
    %get3A_82 = vector.load %arg4[%get3A_79, %get3A_80, %get3A_81] : memref<4x768x768xf32, #tpu.memory_space<vmem>>, vector<1x768x768xf32>
    %get3A_83 = vector.shape_cast %get3A_82 : vector<1x768x768xf32> to vector<768x768xf32>
    %dot_general3A_84 = arith.constant dense<0.000000e+00> : vector<512x768xf32>
    %dot_general3A_85 = tpu.matmul %get3A_78, %get3A_83, %dot_general3A_84 {dimension_numbers = #tpu.dot_dimension_numbers<[1], [0], [0], [1], [0, 0, 1, 1], [], []>, transpose_lhs_hint = false} : vector<512x768xf32>, vector<768x768xf32>, vector<512x768xf32> -> vector<512x768xf32>
    %add3A_86 = arith.addf %add3A_75, %dot_general3A_85 : vector<512x768xf32>
    %get3A_87 = arith.constant 2 : index
    %get3A_88 = arith.constant 0 : index
    %get3A_89 = vector.load %arg12[%get3A_87, %get3A_88] : memref<514x768xf32, #tpu.memory_space<vmem>>, vector<512x768xf32>
    %get3A_90 = arith.constant 3 : index
    %get3A_91 = arith.constant 0 : index
    %get3A_92 = arith.constant 0 : index
    %get3A_93 = vector.load %arg4[%get3A_90, %get3A_91, %get3A_92] : memref<4x768x768xf32, #tpu.memory_space<vmem>>, vector<1x768x768xf32>
    %get3A_94 = vector.shape_cast %get3A_93 : vector<1x768x768xf32> to vector<768x768xf32>
    %dot_general3A_95 = arith.constant dense<0.000000e+00> : vector<512x768xf32>
    %dot_general3A_96 = tpu.matmul %get3A_89, %get3A_94, %dot_general3A_95 {dimension_numbers = #tpu.dot_dimension_numbers<[1], [0], [0], [1], [0, 0, 1, 1], [], []>, transpose_lhs_hint = false} : vector<512x768xf32>, vector<768x768xf32>, vector<512x768xf32> -> vector<512x768xf32>
    %add3A_97 = arith.addf %add3A_86, %dot_general3A_96 : vector<512x768xf32>
    %add3A_98 = vector.broadcast %broadcast_in_dim3A_54 : vector<1x768xf32> to vector<512x768xf32>
    %add3A_99 = arith.addf %add3A_97, %add3A_98 : vector<512x768xf32>
    %max3A_100 = arith.constant 0.000000e+00 : f32
    %max3A_101 = vector.broadcast %max3A_100 : f32 to vector<512x768xf32>
    %max3A_102 = arith.maximumf %add3A_99, %max3A_101 : vector<512x768xf32>
    %swap3A_103 = arith.constant 0 : index
    %swap3A_104 = arith.constant 0 : index
    %swap3A_105 = vector.load %arg14[%swap3A_103, %swap3A_104] : memref<514x768xf32, #tpu.memory_space<vmem>>, vector<1x768xf32>
    tpu.vector_store %arg14[%swap3A_103, %swap3A_104], %broadcast_in_dim3A_0 {strides = array<i32>} : memref<514x768xf32, #tpu.memory_space<vmem>>, vector<1x768xf32>,
    %swap3A_106 = arith.constant 513 : index
    %swap3A_107 = arith.constant 0 : index
    %swap3A_108 = vector.load %arg14[%swap3A_106, %swap3A_107] : memref<514x768xf32, #tpu.memory_space<vmem>>, vector<1x768xf32>
    tpu.vector_store %arg14[%swap3A_106, %swap3A_107], %broadcast_in_dim3A_0 {strides = array<i32>} : memref<514x768xf32, #tpu.memory_space<vmem>>, vector<1x768xf32>,
    %swap3A_109 = arith.constant 1 : index
    %swap3A_110 = arith.constant 0 : index
    %swap3A_111 = vector.load %arg14[%swap3A_109, %swap3A_110] : memref<514x768xf32, #tpu.memory_space<vmem>>, vector<512x768xf32>
    tpu.vector_store %arg14[%swap3A_109, %swap3A_110], %max3A_102 {strides = array<i32>} : memref<514x768xf32, #tpu.memory_space<vmem>>, vector<512x768xf32>,
    %get3A_112 = arith.constant 0 : index
    %get3A_113 = arith.constant 0 : index
    %get3A_114 = vector.load %arg7[%get3A_112, %get3A_113] : memref<1x256xf32, #tpu.memory_space<vmem>>, vector<1x256xf32>
    %get3A_115 = vector.shape_cast %get3A_114 : vector<1x256xf32> to vector<256xf32>
    %broadcast_in_dim3A_116 = vector.shape_cast %get3A_115 : vector<256xf32> to vector<1x256xf32>
    %get3A_117 = arith.constant 0 : index
    %get3A_118 = arith.constant 0 : index
    %get3A_119 = vector.load %arg14[%get3A_117, %get3A_118] : memref<514x768xf32, #tpu.memory_space<vmem>>, vector<512x768xf32>
    %get3A_120 = arith.constant 0 : index
    %get3A_121 = arith.constant 0 : index
    %get3A_122 = arith.constant 0 : index
    %get3A_123 = vector.load %arg6[%get3A_120, %get3A_121, %get3A_122] : memref<3x768x256xf32, #tpu.memory_space<vmem>>, vector<1x768x256xf32>
    %get3A_124 = vector.shape_cast %get3A_123 : vector<1x768x256xf32> to vector<768x256xf32>
    %dot_general3A_125 = arith.constant dense<0.000000e+00> : vector<512x256xf32>
    %dot_general3A_126 = tpu.matmul %get3A_119, %get3A_124, %dot_general3A_125 {dimension_numbers = #tpu.dot_dimension_numbers<[1], [0], [0], [1], [0, 0, 1, 1], [], []>, transpose_lhs_hint = false} : vector<512x768xf32>, vector<768x256xf32>, vector<512x256xf32> -> vector<512x256xf32>
    %add3A_127 = vector.broadcast %broadcast_in_dim3A_116 : vector<1x256xf32> to vector<512x256xf32>
    %add3A_128 = arith.addf %add3A_127, %dot_general3A_126 : vector<512x256xf32>
    %get3A_129 = arith.constant 1 : index
    %get3A_130 = arith.constant 0 : index
    %get3A_131 = vector.load %arg14[%get3A_129, %get3A_130] : memref<514x768xf32, #tpu.memory_space<vmem>>, vector<512x768xf32>
    %get3A_132 = arith.constant 1 : index
    %get3A_133 = arith.constant 0 : index
    %get3A_134 = arith.constant 0 : index
    %get3A_135 = vector.load %arg6[%get3A_132, %get3A_133, %get3A_134] : memref<3x768x256xf32, #tpu.memory_space<vmem>>, vector<1x768x256xf32>
    %get3A_136 = vector.shape_cast %get3A_135 : vector<1x768x256xf32> to vector<768x256xf32>
    %dot_general3A_137 = arith.constant dense<0.000000e+00> : vector<512x256xf32>
    %dot_general3A_138 = tpu.matmul %get3A_131, %get3A_136, %dot_general3A_137 {dimension_numbers = #tpu.dot_dimension_numbers<[1], [0], [0], [1], [0, 0, 1, 1], [], []>, transpose_lhs_hint = false} : vector<512x768xf32>, vector<768x256xf32>, vector<512x256xf32> -> vector<512x256xf32>
    %add3A_139 = arith.addf %add3A_128, %dot_general3A_138 : vector<512x256xf32>
    %get3A_140 = arith.constant 2 : index
    %get3A_141 = arith.constant 0 : index
    %get3A_142 = vector.load %arg14[%get3A_140, %get3A_141] : memref<514x768xf32, #tpu.memory_space<vmem>>, vector<512x768xf32>
    %get3A_143 = arith.constant 2 : index
    %get3A_144 = arith.constant 0 : index
    %get3A_145 = arith.constant 0 : index
    %get3A_146 = vector.load %arg6[%get3A_143, %get3A_144, %get3A_145] : memref<3x768x256xf32, #tpu.memory_space<vmem>>, vector<1x768x256xf32>
    %get3A_147 = vector.shape_cast %get3A_146 : vector<1x768x256xf32> to vector<768x256xf32>
    %dot_general3A_148 = arith.constant dense<0.000000e+00> : vector<512x256xf32>
    %dot_general3A_149 = tpu.matmul %get3A_142, %get3A_147, %dot_general3A_148 {dimension_numbers = #tpu.dot_dimension_numbers<[1], [0], [0], [1], [0, 0, 1, 1], [], []>, transpose_lhs_hint = false} : vector<512x768xf32>, vector<768x256xf32>, vector<512x256xf32> -> vector<512x256xf32>
    %add3A_150 = arith.addf %add3A_139, %dot_general3A_149 : vector<512x256xf32>
    %mul3A = arith.mulf %add3A_150, %add3A_150 : vector<512x256xf32>
    %reduce_sum3A = arith.constant dense<0.000000e+00> : vector<512xf32>
    %reduce_sum3A_151 = vector.multi_reduction <add>, %mul3A, %reduce_sum3A [1] : vector<512x256xf32> to vector<512xf32>
    %broadcast_in_dim3A_152 = vector.shape_cast %reduce_sum3A_151 : vector<512xf32> to vector<512x1xf32>
    %eq3A = arith.constant 0 : i32
    %eq3A_153 = arith.cmpi eq, %arg0, %eq3A : i32
    %convert_element_type3A = arith.extui %eq3A_153 : i1 to i32
    %cond3A = arith.constant 0 : i32
    %cond3A_154 = arith.cmpi ne, %convert_element_type3A, %cond3A : i32
    scf.if %cond3A_154 {
      %get3A_389 = arith.constant 0 : index
      %get3A_390 = arith.constant 0 : index
      %get3A_391 = vector.load %arg8[%get3A_389, %get3A_390] : memref<256x8192xf32, #tpu.memory_space<vmem>>, vector<256x8192xf32>
      %mul3A_392 = arith.mulf %get3A_391, %get3A_391 : vector<256x8192xf32>
      %reduce_sum3A_393 = arith.constant dense<0.000000e+00> : vector<8192xf32>
      %reduce_sum3A_394 = vector.multi_reduction <add>, %mul3A_392, %reduce_sum3A_393 [0] : vector<256x8192xf32> to vector<8192xf32>
      %broadcast_in_dim3A_395 = vector.shape_cast %reduce_sum3A_394 : vector<8192xf32> to vector<1x8192xf32>
      %mul3A_396 = arith.constant 2.500000e-01 : f32
      %mul3A_397 = vector.broadcast %mul3A_396 : f32 to vector<1x8192xf32>
      %mul3A_398 = arith.mulf %mul3A_397, %broadcast_in_dim3A_395 : vector<1x8192xf32>
      %swap3A_399 = arith.constant 0 : index
      %swap3A_400 = arith.constant 0 : index
      %swap3A_401 = vector.load %arg15[%swap3A_399, %swap3A_400] : memref<1x8192xf32, #tpu.memory_space<vmem>>, vector<1x8192xf32>
      tpu.vector_store %arg15[%swap3A_399, %swap3A_400], %mul3A_398 {strides = array<i32>} : memref<1x8192xf32, #tpu.memory_space<vmem>>, vector<1x8192xf32>,
    } else {
    }
    %broadcast_in_dim3A_155 = arith.constant 0x7F800000 : f32
    %broadcast_in_dim3A_156 = vector.broadcast %broadcast_in_dim3A_155 : f32 to vector<512x1xf32>
    %broadcast_in_dim3A_157 = arith.constant 0 : i32
    %broadcast_in_dim3A_158 = vector.broadcast %broadcast_in_dim3A_157 : i32 to vector<512x1xi32>
    %get3A_159 = arith.constant 0 : index
    %get3A_160 = arith.constant 0 : index
    %get3A_161 = vector.load %arg8[%get3A_159, %get3A_160] : memref<256x8192xf32, #tpu.memory_space<vmem>>, vector<256x2048xf32>
    %get3A_162 = arith.constant 0 : index
    %get3A_163 = arith.constant 0 : index
    %get3A_164 = vector.load %arg15[%get3A_162, %get3A_163] : memref<1x8192xf32, #tpu.memory_space<vmem>>, vector<1x2048xf32>
    %add3A_165 = vector.broadcast %broadcast_in_dim3A_152 : vector<512x1xf32> to vector<512x2048xf32>
    %add3A_166 = vector.broadcast %get3A_164 : vector<1x2048xf32> to vector<512x2048xf32>
    %add3A_167 = arith.addf %add3A_165, %add3A_166 : vector<512x2048xf32>
    %dot_general3A_168 = arith.constant dense<0.000000e+00> : vector<512x2048xf32>
    %dot_general3A_169 = tpu.matmul %add3A_150, %get3A_161, %dot_general3A_168 {dimension_numbers = #tpu.dot_dimension_numbers<[1], [0], [0], [1], [0, 0, 1, 1], [], []>, transpose_lhs_hint = false} : vector<512x256xf32>, vector<256x2048xf32>, vector<512x2048xf32> -> vector<512x2048xf32>
    %add3A_170 = arith.addf %add3A_167, %dot_general3A_169 : vector<512x2048xf32>
    %reduce_min3A = arith.constant dense<0x7F800000> : vector<512xf32>
    %reduce_min3A_171 = vector.multi_reduction <minimumf>, %add3A_170, %reduce_min3A [1] : vector<512x2048xf32> to vector<512xf32>
    %broadcast_in_dim3A_172 = vector.shape_cast %reduce_min3A_171 : vector<512xf32> to vector<512x1xf32>
    %iota3A = tpu.iota {dimensions = array<i32: 1>} : vector<512x2048xi32>
    %add3A_173 = arith.constant 0 : i32
    %add3A_174 = vector.broadcast %add3A_173 : i32 to vector<512x2048xi32>
    %add3A_175 = arith.addi %iota3A, %add3A_174 : vector<512x2048xi32>
    %eq3A_176 = vector.broadcast %broadcast_in_dim3A_172 : vector<512x1xf32> to vector<512x2048xf32>
    %eq3A_177 = arith.cmpf oeq, %add3A_170, %eq3A_176 : vector<512x2048xf32>
    %jit3A = arith.constant 8192 : i32
    %broadcast_in_dim3A_178 = vector.broadcast %jit3A : i32 to vector<512x2048xi32>
    %select_n3A = arith.select %eq3A_177, %add3A_175, %broadcast_in_dim3A_178 : vector<512x2048xi1>, vector<512x2048xi32>
    %reduce_min3A_179 = arith.constant dense<2147483647> : vector<512xi32>
    %reduce_min3A_180 = vector.multi_reduction <minsi>, %select_n3A, %reduce_min3A_179 [1] : vector<512x2048xi32> to vector<512xi32>
    %broadcast_in_dim3A_181 = vector.shape_cast %reduce_min3A_180 : vector<512xi32> to vector<512x1xi32>
    %lt3A = arith.cmpf olt, %broadcast_in_dim3A_172, %broadcast_in_dim3A_156 : vector<512x1xf32>
    %select_n3A_182 = arith.select %lt3A, %broadcast_in_dim3A_181, %broadcast_in_dim3A_158 : vector<512x1xi1>, vector<512x1xi32>
    %select_n3A_183 = arith.select %lt3A, %broadcast_in_dim3A_172, %broadcast_in_dim3A_156 : vector<512x1xi1>, vector<512x1xf32>
    %get3A_184 = arith.constant 0 : index
    %get3A_185 = arith.constant 2048 : index
    %get3A_186 = vector.load %arg8[%get3A_184, %get3A_185] : memref<256x8192xf32, #tpu.memory_space<vmem>>, vector<256x2048xf32>
    %get3A_187 = arith.constant 0 : index
    %get3A_188 = arith.constant 2048 : index
    %get3A_189 = vector.load %arg15[%get3A_187, %get3A_188] : memref<1x8192xf32, #tpu.memory_space<vmem>>, vector<1x2048xf32>
    %add3A_190 = vector.broadcast %broadcast_in_dim3A_152 : vector<512x1xf32> to vector<512x2048xf32>
    %add3A_191 = vector.broadcast %get3A_189 : vector<1x2048xf32> to vector<512x2048xf32>
    %add3A_192 = arith.addf %add3A_190, %add3A_191 : vector<512x2048xf32>
    %dot_general3A_193 = arith.constant dense<0.000000e+00> : vector<512x2048xf32>
    %dot_general3A_194 = tpu.matmul %add3A_150, %get3A_186, %dot_general3A_193 {dimension_numbers = #tpu.dot_dimension_numbers<[1], [0], [0], [1], [0, 0, 1, 1], [], []>, transpose_lhs_hint = false} : vector<512x256xf32>, vector<256x2048xf32>, vector<512x2048xf32> -> vector<512x2048xf32>
    %add3A_195 = arith.addf %add3A_192, %dot_general3A_194 : vector<512x2048xf32>
    %reduce_min3A_196 = arith.constant dense<0x7F800000> : vector<512xf32>
    %reduce_min3A_197 = vector.multi_reduction <minimumf>, %add3A_195, %reduce_min3A_196 [1] : vector<512x2048xf32> to vector<512xf32>
    %broadcast_in_dim3A_198 = vector.shape_cast %reduce_min3A_197 : vector<512xf32> to vector<512x1xf32>
    %iota3A_199 = tpu.iota {dimensions = array<i32: 1>} : vector<512x2048xi32>
    %add3A_200 = arith.constant 2048 : i32
    %add3A_201 = vector.broadcast %add3A_200 : i32 to vector<512x2048xi32>
    %add3A_202 = arith.addi %iota3A_199, %add3A_201 : vector<512x2048xi32>
    %eq3A_203 = vector.broadcast %broadcast_in_dim3A_198 : vector<512x1xf32> to vector<512x2048xf32>
    %eq3A_204 = arith.cmpf oeq, %add3A_195, %eq3A_203 : vector<512x2048xf32>
    %jit3A_205 = arith.constant 8192 : i32
    %broadcast_in_dim3A_206 = vector.broadcast %jit3A_205 : i32 to vector<512x2048xi32>
    %select_n3A_207 = arith.select %eq3A_204, %add3A_202, %broadcast_in_dim3A_206 : vector<512x2048xi1>, vector<512x2048xi32>
    %reduce_min3A_208 = arith.constant dense<2147483647> : vector<512xi32>
    %reduce_min3A_209 = vector.multi_reduction <minsi>, %select_n3A_207, %reduce_min3A_208 [1] : vector<512x2048xi32> to vector<512xi32>
    %broadcast_in_dim3A_210 = vector.shape_cast %reduce_min3A_209 : vector<512xi32> to vector<512x1xi32>
    %lt3A_211 = arith.cmpf olt, %broadcast_in_dim3A_198, %select_n3A_183 : vector<512x1xf32>
    %select_n3A_212 = arith.select %lt3A_211, %broadcast_in_dim3A_210, %select_n3A_182 : vector<512x1xi1>, vector<512x1xi32>
    %select_n3A_213 = arith.select %lt3A_211, %broadcast_in_dim3A_198, %select_n3A_183 : vector<512x1xi1>, vector<512x1xf32>
    %get3A_214 = arith.constant 0 : index
    %get3A_215 = arith.constant 4096 : index
    %get3A_216 = vector.load %arg8[%get3A_214, %get3A_215] : memref<256x8192xf32, #tpu.memory_space<vmem>>, vector<256x2048xf32>
    %get3A_217 = arith.constant 0 : index
    %get3A_218 = arith.constant 4096 : index
    %get3A_219 = vector.load %arg15[%get3A_217, %get3A_218] : memref<1x8192xf32, #tpu.memory_space<vmem>>, vector<1x2048xf32>
    %add3A_220 = vector.broadcast %broadcast_in_dim3A_152 : vector<512x1xf32> to vector<512x2048xf32>
    %add3A_221 = vector.broadcast %get3A_219 : vector<1x2048xf32> to vector<512x2048xf32>
    %add3A_222 = arith.addf %add3A_220, %add3A_221 : vector<512x2048xf32>
    %dot_general3A_223 = arith.constant dense<0.000000e+00> : vector<512x2048xf32>
    %dot_general3A_224 = tpu.matmul %add3A_150, %get3A_216, %dot_general3A_223 {dimension_numbers = #tpu.dot_dimension_numbers<[1], [0], [0], [1], [0, 0, 1, 1], [], []>, transpose_lhs_hint = false} : vector<512x256xf32>, vector<256x2048xf32>, vector<512x2048xf32> -> vector<512x2048xf32>
    %add3A_225 = arith.addf %add3A_222, %dot_general3A_224 : vector<512x2048xf32>
    %reduce_min3A_226 = arith.constant dense<0x7F800000> : vector<512xf32>
    %reduce_min3A_227 = vector.multi_reduction <minimumf>, %add3A_225, %reduce_min3A_226 [1] : vector<512x2048xf32> to vector<512xf32>
    %broadcast_in_dim3A_228 = vector.shape_cast %reduce_min3A_227 : vector<512xf32> to vector<512x1xf32>
    %iota3A_229 = tpu.iota {dimensions = array<i32: 1>} : vector<512x2048xi32>
    %add3A_230 = arith.constant 4096 : i32
    %add3A_231 = vector.broadcast %add3A_230 : i32 to vector<512x2048xi32>
    %add3A_232 = arith.addi %iota3A_229, %add3A_231 : vector<512x2048xi32>
    %eq3A_233 = vector.broadcast %broadcast_in_dim3A_228 : vector<512x1xf32> to vector<512x2048xf32>
    %eq3A_234 = arith.cmpf oeq, %add3A_225, %eq3A_233 : vector<512x2048xf32>
    %jit3A_235 = arith.constant 8192 : i32
    %broadcast_in_dim3A_236 = vector.broadcast %jit3A_235 : i32 to vector<512x2048xi32>
    %select_n3A_237 = arith.select %eq3A_234, %add3A_232, %broadcast_in_dim3A_236 : vector<512x2048xi1>, vector<512x2048xi32>
    %reduce_min3A_238 = arith.constant dense<2147483647> : vector<512xi32>
    %reduce_min3A_239 = vector.multi_reduction <minsi>, %select_n3A_237, %reduce_min3A_238 [1] : vector<512x2048xi32> to vector<512xi32>
    %broadcast_in_dim3A_240 = vector.shape_cast %reduce_min3A_239 : vector<512xi32> to vector<512x1xi32>
    %lt3A_241 = arith.cmpf olt, %broadcast_in_dim3A_228, %select_n3A_213 : vector<512x1xf32>
    %select_n3A_242 = arith.select %lt3A_241, %broadcast_in_dim3A_240, %select_n3A_212 : vector<512x1xi1>, vector<512x1xi32>
    %select_n3A_243 = arith.select %lt3A_241, %broadcast_in_dim3A_228, %select_n3A_213 : vector<512x1xi1>, vector<512x1xf32>
    %get3A_244 = arith.constant 0 : index
    %get3A_245 = arith.constant 6144 : index
    %get3A_246 = vector.load %arg8[%get3A_244, %get3A_245] : memref<256x8192xf32, #tpu.memory_space<vmem>>, vector<256x2048xf32>
    %get3A_247 = arith.constant 0 : index
    %get3A_248 = arith.constant 6144 : index
    %get3A_249 = vector.load %arg15[%get3A_247, %get3A_248] : memref<1x8192xf32, #tpu.memory_space<vmem>>, vector<1x2048xf32>
    %add3A_250 = vector.broadcast %broadcast_in_dim3A_152 : vector<512x1xf32> to vector<512x2048xf32>
    %add3A_251 = vector.broadcast %get3A_249 : vector<1x2048xf32> to vector<512x2048xf32>
    %add3A_252 = arith.addf %add3A_250, %add3A_251 : vector<512x2048xf32>
    %dot_general3A_253 = arith.constant dense<0.000000e+00> : vector<512x2048xf32>
    %dot_general3A_254 = tpu.matmul %add3A_150, %get3A_246, %dot_general3A_253 {dimension_numbers = #tpu.dot_dimension_numbers<[1], [0], [0], [1], [0, 0, 1, 1], [], []>, transpose_lhs_hint = false} : vector<512x256xf32>, vector<256x2048xf32>, vector<512x2048xf32> -> vector<512x2048xf32>
    %add3A_255 = arith.addf %add3A_252, %dot_general3A_254 : vector<512x2048xf32>
    %reduce_min3A_256 = arith.constant dense<0x7F800000> : vector<512xf32>
    %reduce_min3A_257 = vector.multi_reduction <minimumf>, %add3A_255, %reduce_min3A_256 [1] : vector<512x2048xf32> to vector<512xf32>
    %broadcast_in_dim3A_258 = vector.shape_cast %reduce_min3A_257 : vector<512xf32> to vector<512x1xf32>
    %iota3A_259 = tpu.iota {dimensions = array<i32: 1>} : vector<512x2048xi32>
    %add3A_260 = arith.constant 6144 : i32
    %add3A_261 = vector.broadcast %add3A_260 : i32 to vector<512x2048xi32>
    %add3A_262 = arith.addi %iota3A_259, %add3A_261 : vector<512x2048xi32>
    %eq3A_263 = vector.broadcast %broadcast_in_dim3A_258 : vector<512x1xf32> to vector<512x2048xf32>
    %eq3A_264 = arith.cmpf oeq, %add3A_255, %eq3A_263 : vector<512x2048xf32>
    %jit3A_265 = arith.constant 8192 : i32
    %broadcast_in_dim3A_266 = vector.broadcast %jit3A_265 : i32 to vector<512x2048xi32>
    %select_n3A_267 = arith.select %eq3A_264, %add3A_262, %broadcast_in_dim3A_266 : vector<512x2048xi1>, vector<512x2048xi32>
    %reduce_min3A_268 = arith.constant dense<2147483647> : vector<512xi32>
    %reduce_min3A_269 = vector.multi_reduction <minsi>, %select_n3A_267, %reduce_min3A_268 [1] : vector<512x2048xi32> to vector<512xi32>
    %broadcast_in_dim3A_270 = vector.shape_cast %reduce_min3A_269 : vector<512xi32> to vector<512x1xi32>
    %lt3A_271 = arith.cmpf olt, %broadcast_in_dim3A_258, %select_n3A_243 : vector<512x1xf32>
    %select_n3A_272 = arith.select %lt3A_271, %broadcast_in_dim3A_270, %select_n3A_242 : vector<512x1xi1>, vector<512x1xi32>
    %select_n3A_273 = arith.select %lt3A_271, %broadcast_in_dim3A_258, %select_n3A_243 : vector<512x1xi1>, vector<512x1xf32>
    %squeeze3A = vector.shape_cast %select_n3A_272 : vector<512x1xi32> to vector<512xi32>
    %swap3A_274 = arith.constant 0 : index
    %swap3A_275 = arith.constant 0 : index
    %swap3A_276 = arith.constant 0 : index
    %swap3A_277 = vector.load %arg9[%swap3A_274, %swap3A_275, %swap3A_276] : memref<1x1x512xi32, #tpu.memory_space<vmem>>, vector<1x1x512xi32>
    %swap3A_278 = vector.shape_cast %swap3A_277 : vector<1x1x512xi32> to vector<512xi32>
    %swap3A_279 = vector.shape_cast %squeeze3A : vector<512xi32> to vector<1x1x512xi32>
    tpu.vector_store %arg9[%swap3A_274, %swap3A_275, %swap3A_276], %swap3A_279 {strides = array<i32>} : memref<1x1x512xi32, #tpu.memory_space<vmem>>, vector<1x1x512xi32>,
    %broadcast_in_dim3A_280 = arith.constant 1.000000e+00 : f32
    %broadcast_in_dim3A_281 = vector.broadcast %broadcast_in_dim3A_280 : f32 to vector<1x512xf32>
    %iota3A_282 = tpu.iota {dimensions = array<i32: 1>} : vector<1x2048xi32>
    %add3A_283 = arith.constant 0 : i32
    %add3A_284 = vector.broadcast %add3A_283 : i32 to vector<1x2048xi32>
    %add3A_285 = arith.addi %iota3A_282, %add3A_284 : vector<1x2048xi32>
    %eq3A_286 = vector.broadcast %select_n3A_272 : vector<512x1xi32> to vector<512x2048xi32>
    %eq3A_287 = vector.broadcast %add3A_285 : vector<1x2048xi32> to vector<512x2048xi32>
    %eq3A_288 = arith.cmpi eq, %eq3A_286, %eq3A_287 : vector<512x2048xi32>
    %convert_element_type3A_289 = arith.extui %eq3A_288 : vector<512x2048xi1> to vector<512x2048xi32>
    %convert_element_type3A_290 = arith.sitofp %convert_element_type3A_289 : vector<512x2048xi32> to vector<512x2048xf32>
    %dot_general3A_291 = arith.constant dense<0.000000e+00> : vector<1x2048xf32>
    %dot_general3A_292 = tpu.matmul %broadcast_in_dim3A_281, %convert_element_type3A_290, %dot_general3A_291 {dimension_numbers = #tpu.dot_dimension_numbers<[1], [0], [0], [1], [0, 0, 1, 1], [], []>, transpose_lhs_hint = false} : vector<1x512xf32>, vector<512x2048xf32>, vector<1x2048xf32> -> vector<1x2048xf32>
    %squeeze3A_293 = vector.shape_cast %dot_general3A_292 : vector<1x2048xf32> to vector<2048xf32>
    %eq3A_294 = arith.constant 0 : i32
    %eq3A_295 = arith.cmpi eq, %arg0, %eq3A_294 : i32
    %convert_element_type3A_296 = arith.extui %eq3A_295 : i1 to i32
    %cond3A_297 = arith.constant 0 : i32
    %cond3A_298 = arith.cmpi ne, %convert_element_type3A_296, %cond3A_297 : i32
    scf.if %cond3A_298 {
      %swap3A_389 = arith.constant 0 : index
      %swap3A_390 = arith.constant 0 : index
      %swap3A_391 = vector.load %arg16[%swap3A_389, %swap3A_390] : memref<1x8192xf32, #tpu.memory_space<vmem>>, vector<1x2048xf32>
      %swap3A_392 = vector.shape_cast %swap3A_391 : vector<1x2048xf32> to vector<2048xf32>
      %swap3A_393 = vector.shape_cast %squeeze3A_293 : vector<2048xf32> to vector<1x2048xf32>
      tpu.vector_store %arg16[%swap3A_389, %swap3A_390], %swap3A_393 {strides = array<i32>} : memref<1x8192xf32, #tpu.memory_space<vmem>>, vector<1x2048xf32>,
    } else {
    }
    %ne3A = arith.constant 0 : i32
    %ne3A_299 = arith.cmpi ne, %arg0, %ne3A : i32
    %convert_element_type3A_300 = arith.extui %ne3A_299 : i1 to i32
    %cond3A_301 = arith.constant 0 : i32
    %cond3A_302 = arith.cmpi ne, %convert_element_type3A_300, %cond3A_301 : i32
    scf.if %cond3A_302 {
      %get3A_389 = arith.constant 0 : index
      %get3A_390 = arith.constant 0 : index
      %get3A_391 = vector.load %arg16[%get3A_389, %get3A_390] : memref<1x8192xf32, #tpu.memory_space<vmem>>, vector<1x2048xf32>
      %get3A_392 = vector.shape_cast %get3A_391 : vector<1x2048xf32> to vector<2048xf32>
      %add3A_393 = arith.addf %get3A_392, %squeeze3A_293 : vector<2048xf32>
      %swap3A_394 = arith.constant 0 : index
      %swap3A_395 = arith.constant 0 : index
      %swap3A_396 = vector.load %arg16[%swap3A_394, %swap3A_395] : memref<1x8192xf32, #tpu.memory_space<vmem>>, vector<1x2048xf32>
      %swap3A_397 = vector.shape_cast %swap3A_396 : vector<1x2048xf32> to vector<2048xf32>
      %swap3A_398 = vector.shape_cast %add3A_393 : vector<2048xf32> to vector<1x2048xf32>
      tpu.vector_store %arg16[%swap3A_394, %swap3A_395], %swap3A_398 {strides = array<i32>} : memref<1x8192xf32, #tpu.memory_space<vmem>>, vector<1x2048xf32>,
    } else {
    }
    %iota3A_303 = tpu.iota {dimensions = array<i32: 1>} : vector<1x2048xi32>
    %add3A_304 = arith.constant 2048 : i32
    %add3A_305 = vector.broadcast %add3A_304 : i32 to vector<1x2048xi32>
    %add3A_306 = arith.addi %iota3A_303, %add3A_305 : vector<1x2048xi32>
    %eq3A_307 = vector.broadcast %select_n3A_272 : vector<512x1xi32> to vector<512x2048xi32>
    %eq3A_308 = vector.broadcast %add3A_306 : vector<1x2048xi32> to vector<512x2048xi32>
    %eq3A_309 = arith.cmpi eq, %eq3A_307, %eq3A_308 : vector<512x2048xi32>
    %convert_element_type3A_310 = arith.extui %eq3A_309 : vector<512x2048xi1> to vector<512x2048xi32>
    %convert_element_type3A_311 = arith.sitofp %convert_element_type3A_310 : vector<512x2048xi32> to vector<512x2048xf32>
    %dot_general3A_312 = arith.constant dense<0.000000e+00> : vector<1x2048xf32>
    %dot_general3A_313 = tpu.matmul %broadcast_in_dim3A_281, %convert_element_type3A_311, %dot_general3A_312 {dimension_numbers = #tpu.dot_dimension_numbers<[1], [0], [0], [1], [0, 0, 1, 1], [], []>, transpose_lhs_hint = false} : vector<1x512xf32>, vector<512x2048xf32>, vector<1x2048xf32> -> vector<1x2048xf32>
    %squeeze3A_314 = vector.shape_cast %dot_general3A_313 : vector<1x2048xf32> to vector<2048xf32>
    %eq3A_315 = arith.constant 0 : i32
    %eq3A_316 = arith.cmpi eq, %arg0, %eq3A_315 : i32
    %convert_element_type3A_317 = arith.extui %eq3A_316 : i1 to i32
    %cond3A_318 = arith.constant 0 : i32
    %cond3A_319 = arith.cmpi ne, %convert_element_type3A_317, %cond3A_318 : i32
    scf.if %cond3A_319 {
      %swap3A_389 = arith.constant 0 : index
      %swap3A_390 = arith.constant 2048 : index
      %swap3A_391 = vector.load %arg16[%swap3A_389, %swap3A_390] : memref<1x8192xf32, #tpu.memory_space<vmem>>, vector<1x2048xf32>
      %swap3A_392 = vector.shape_cast %swap3A_391 : vector<1x2048xf32> to vector<2048xf32>
      %swap3A_393 = vector.shape_cast %squeeze3A_314 : vector<2048xf32> to vector<1x2048xf32>
      tpu.vector_store %arg16[%swap3A_389, %swap3A_390], %swap3A_393 {strides = array<i32>} : memref<1x8192xf32, #tpu.memory_space<vmem>>, vector<1x2048xf32>,
    } else {
    }
    %ne3A_320 = arith.constant 0 : i32
    %ne3A_321 = arith.cmpi ne, %arg0, %ne3A_320 : i32
    %convert_element_type3A_322 = arith.extui %ne3A_321 : i1 to i32
    %cond3A_323 = arith.constant 0 : i32
    %cond3A_324 = arith.cmpi ne, %convert_element_type3A_322, %cond3A_323 : i32
    scf.if %cond3A_324 {
      %get3A_389 = arith.constant 0 : index
      %get3A_390 = arith.constant 2048 : index
      %get3A_391 = vector.load %arg16[%get3A_389, %get3A_390] : memref<1x8192xf32, #tpu.memory_space<vmem>>, vector<1x2048xf32>
      %get3A_392 = vector.shape_cast %get3A_391 : vector<1x2048xf32> to vector<2048xf32>
      %add3A_393 = arith.addf %get3A_392, %squeeze3A_314 : vector<2048xf32>
      %swap3A_394 = arith.constant 0 : index
      %swap3A_395 = arith.constant 2048 : index
      %swap3A_396 = vector.load %arg16[%swap3A_394, %swap3A_395] : memref<1x8192xf32, #tpu.memory_space<vmem>>, vector<1x2048xf32>
      %swap3A_397 = vector.shape_cast %swap3A_396 : vector<1x2048xf32> to vector<2048xf32>
      %swap3A_398 = vector.shape_cast %add3A_393 : vector<2048xf32> to vector<1x2048xf32>
      tpu.vector_store %arg16[%swap3A_394, %swap3A_395], %swap3A_398 {strides = array<i32>} : memref<1x8192xf32, #tpu.memory_space<vmem>>, vector<1x2048xf32>,
    } else {
    }
    %iota3A_325 = tpu.iota {dimensions = array<i32: 1>} : vector<1x2048xi32>
    %add3A_326 = arith.constant 4096 : i32
    %add3A_327 = vector.broadcast %add3A_326 : i32 to vector<1x2048xi32>
    %add3A_328 = arith.addi %iota3A_325, %add3A_327 : vector<1x2048xi32>
    %eq3A_329 = vector.broadcast %select_n3A_272 : vector<512x1xi32> to vector<512x2048xi32>
    %eq3A_330 = vector.broadcast %add3A_328 : vector<1x2048xi32> to vector<512x2048xi32>
    %eq3A_331 = arith.cmpi eq, %eq3A_329, %eq3A_330 : vector<512x2048xi32>
    %convert_element_type3A_332 = arith.extui %eq3A_331 : vector<512x2048xi1> to vector<512x2048xi32>
    %convert_element_type3A_333 = arith.sitofp %convert_element_type3A_332 : vector<512x2048xi32> to vector<512x2048xf32>
    %dot_general3A_334 = arith.constant dense<0.000000e+00> : vector<1x2048xf32>
    %dot_general3A_335 = tpu.matmul %broadcast_in_dim3A_281, %convert_element_type3A_333, %dot_general3A_334 {dimension_numbers = #tpu.dot_dimension_numbers<[1], [0], [0], [1], [0, 0, 1, 1], [], []>, transpose_lhs_hint = false} : vector<1x512xf32>, vector<512x2048xf32>, vector<1x2048xf32> -> vector<1x2048xf32>
    %squeeze3A_336 = vector.shape_cast %dot_general3A_335 : vector<1x2048xf32> to vector<2048xf32>
    %eq3A_337 = arith.constant 0 : i32
    %eq3A_338 = arith.cmpi eq, %arg0, %eq3A_337 : i32
    %convert_element_type3A_339 = arith.extui %eq3A_338 : i1 to i32
    %cond3A_340 = arith.constant 0 : i32
    %cond3A_341 = arith.cmpi ne, %convert_element_type3A_339, %cond3A_340 : i32
    scf.if %cond3A_341 {
      %swap3A_389 = arith.constant 0 : index
      %swap3A_390 = arith.constant 4096 : index
      %swap3A_391 = vector.load %arg16[%swap3A_389, %swap3A_390] : memref<1x8192xf32, #tpu.memory_space<vmem>>, vector<1x2048xf32>
      %swap3A_392 = vector.shape_cast %swap3A_391 : vector<1x2048xf32> to vector<2048xf32>
      %swap3A_393 = vector.shape_cast %squeeze3A_336 : vector<2048xf32> to vector<1x2048xf32>
      tpu.vector_store %arg16[%swap3A_389, %swap3A_390], %swap3A_393 {strides = array<i32>} : memref<1x8192xf32, #tpu.memory_space<vmem>>, vector<1x2048xf32>,
    } else {
    }
    %ne3A_342 = arith.constant 0 : i32
    %ne3A_343 = arith.cmpi ne, %arg0, %ne3A_342 : i32
    %convert_element_type3A_344 = arith.extui %ne3A_343 : i1 to i32
    %cond3A_345 = arith.constant 0 : i32
    %cond3A_346 = arith.cmpi ne, %convert_element_type3A_344, %cond3A_345 : i32
    scf.if %cond3A_346 {
      %get3A_389 = arith.constant 0 : index
      %get3A_390 = arith.constant 4096 : index
      %get3A_391 = vector.load %arg16[%get3A_389, %get3A_390] : memref<1x8192xf32, #tpu.memory_space<vmem>>, vector<1x2048xf32>
      %get3A_392 = vector.shape_cast %get3A_391 : vector<1x2048xf32> to vector<2048xf32>
      %add3A_393 = arith.addf %get3A_392, %squeeze3A_336 : vector<2048xf32>
      %swap3A_394 = arith.constant 0 : index
      %swap3A_395 = arith.constant 4096 : index
      %swap3A_396 = vector.load %arg16[%swap3A_394, %swap3A_395] : memref<1x8192xf32, #tpu.memory_space<vmem>>, vector<1x2048xf32>
      %swap3A_397 = vector.shape_cast %swap3A_396 : vector<1x2048xf32> to vector<2048xf32>
      %swap3A_398 = vector.shape_cast %add3A_393 : vector<2048xf32> to vector<1x2048xf32>
      tpu.vector_store %arg16[%swap3A_394, %swap3A_395], %swap3A_398 {strides = array<i32>} : memref<1x8192xf32, #tpu.memory_space<vmem>>, vector<1x2048xf32>,
    } else {
    }
    %iota3A_347 = tpu.iota {dimensions = array<i32: 1>} : vector<1x2048xi32>
    %add3A_348 = arith.constant 6144 : i32
    %add3A_349 = vector.broadcast %add3A_348 : i32 to vector<1x2048xi32>
    %add3A_350 = arith.addi %iota3A_347, %add3A_349 : vector<1x2048xi32>
    %eq3A_351 = vector.broadcast %select_n3A_272 : vector<512x1xi32> to vector<512x2048xi32>
    %eq3A_352 = vector.broadcast %add3A_350 : vector<1x2048xi32> to vector<512x2048xi32>
    %eq3A_353 = arith.cmpi eq, %eq3A_351, %eq3A_352 : vector<512x2048xi32>
    %convert_element_type3A_354 = arith.extui %eq3A_353 : vector<512x2048xi1> to vector<512x2048xi32>
    %convert_element_type3A_355 = arith.sitofp %convert_element_type3A_354 : vector<512x2048xi32> to vector<512x2048xf32>
    %dot_general3A_356 = arith.constant dense<0.000000e+00> : vector<1x2048xf32>
    %dot_general3A_357 = tpu.matmul %broadcast_in_dim3A_281, %convert_element_type3A_355, %dot_general3A_356 {dimension_numbers = #tpu.dot_dimension_numbers<[1], [0], [0], [1], [0, 0, 1, 1], [], []>, transpose_lhs_hint = false} : vector<1x512xf32>, vector<512x2048xf32>, vector<1x2048xf32> -> vector<1x2048xf32>
    %squeeze3A_358 = vector.shape_cast %dot_general3A_357 : vector<1x2048xf32> to vector<2048xf32>
    %eq3A_359 = arith.constant 0 : i32
    %eq3A_360 = arith.cmpi eq, %arg0, %eq3A_359 : i32
    %convert_element_type3A_361 = arith.extui %eq3A_360 : i1 to i32
    %cond3A_362 = arith.constant 0 : i32
    %cond3A_363 = arith.cmpi ne, %convert_element_type3A_361, %cond3A_362 : i32
    scf.if %cond3A_363 {
      %swap3A_389 = arith.constant 0 : index
      %swap3A_390 = arith.constant 6144 : index
      %swap3A_391 = vector.load %arg16[%swap3A_389, %swap3A_390] : memref<1x8192xf32, #tpu.memory_space<vmem>>, vector<1x2048xf32>
      %swap3A_392 = vector.shape_cast %swap3A_391 : vector<1x2048xf32> to vector<2048xf32>
      %swap3A_393 = vector.shape_cast %squeeze3A_358 : vector<2048xf32> to vector<1x2048xf32>
      tpu.vector_store %arg16[%swap3A_389, %swap3A_390], %swap3A_393 {strides = array<i32>} : memref<1x8192xf32, #tpu.memory_space<vmem>>, vector<1x2048xf32>,
    } else {
    }
    %ne3A_364 = arith.constant 0 : i32
    %ne3A_365 = arith.cmpi ne, %arg0, %ne3A_364 : i32
    %convert_element_type3A_366 = arith.extui %ne3A_365 : i1 to i32
    %cond3A_367 = arith.constant 0 : i32
    %cond3A_368 = arith.cmpi ne, %convert_element_type3A_366, %cond3A_367 : i32
    scf.if %cond3A_368 {
      %get3A_389 = arith.constant 0 : index
      %get3A_390 = arith.constant 6144 : index
      %get3A_391 = vector.load %arg16[%get3A_389, %get3A_390] : memref<1x8192xf32, #tpu.memory_space<vmem>>, vector<1x2048xf32>
      %get3A_392 = vector.shape_cast %get3A_391 : vector<1x2048xf32> to vector<2048xf32>
      %add3A_393 = arith.addf %get3A_392, %squeeze3A_358 : vector<2048xf32>
      %swap3A_394 = arith.constant 0 : index
      %swap3A_395 = arith.constant 6144 : index
      %swap3A_396 = vector.load %arg16[%swap3A_394, %swap3A_395] : memref<1x8192xf32, #tpu.memory_space<vmem>>, vector<1x2048xf32>
      %swap3A_397 = vector.shape_cast %swap3A_396 : vector<1x2048xf32> to vector<2048xf32>
      %swap3A_398 = vector.shape_cast %add3A_393 : vector<2048xf32> to vector<1x2048xf32>
      tpu.vector_store %arg16[%swap3A_394, %swap3A_395], %swap3A_398 {strides = array<i32>} : memref<1x8192xf32, #tpu.memory_space<vmem>>, vector<1x2048xf32>,
    } else {
    }
    %reduce_sum3A_369 = vector.shape_cast %select_n3A_273 : vector<512x1xf32> to vector<1x512x1xf32>
    %reduce_sum3A_370 = arith.constant dense<0.000000e+00> : vector<1xf32>
    %reduce_sum3A_371 = vector.multi_reduction <add>, %reduce_sum3A_369, %reduce_sum3A_370 [1, 2] : vector<1x512x1xf32> to vector<1xf32>
    %reduce_sum3A_372 = vector.shape_cast %reduce_sum3A_371 : vector<1xf32> to vector<1x1x1xf32>
    %reduce_sum3A_373 = vector.extract %reduce_sum3A_372[0, 0, 0] : f32 from vector<1x1x1xf32>
    %eq3A_374 = arith.constant 0 : i32
    %eq3A_375 = arith.cmpi eq, %arg0, %eq3A_374 : i32
    %convert_element_type3A_376 = arith.extui %eq3A_375 : i1 to i32
    %cond3A_377 = arith.constant 0 : i32
    %cond3A_378 = arith.cmpi ne, %convert_element_type3A_376, %cond3A_377 : i32
    scf.if %cond3A_378 {
      %swap3A_389 = arith.constant 0 : index
      %swap3A_390 = arith.constant 0 : index
      %swap3A_391 = memref.load %arg17[%swap3A_389, %swap3A_390] : memref<1x1xf32, #tpu.memory_space<smem>>
      memref.store %reduce_sum3A_373, %arg17[%swap3A_389, %swap3A_390] : memref<1x1xf32, #tpu.memory_space<smem>>
    } else {
    }
    %ne3A_379 = arith.constant 0 : i32
    %ne3A_380 = arith.cmpi ne, %arg0, %ne3A_379 : i32
    %convert_element_type3A_381 = arith.extui %ne3A_380 : i1 to i32
    %cond3A_382 = arith.constant 0 : i32
    %cond3A_383 = arith.cmpi ne, %convert_element_type3A_381, %cond3A_382 : i32
    scf.if %cond3A_383 {
      %get3A_389 = arith.constant 0 : index
      %get3A_390 = arith.constant 0 : index
      %get3A_391 = memref.load %arg17[%get3A_389, %get3A_390] : memref<1x1xf32, #tpu.memory_space<smem>>
      %add3A_392 = arith.addf %get3A_391, %reduce_sum3A_373 : f32
      %swap3A_393 = arith.constant 0 : index
      %swap3A_394 = arith.constant 0 : index
      %swap3A_395 = memref.load %arg17[%swap3A_393, %swap3A_394] : memref<1x1xf32, #tpu.memory_space<smem>>
      memref.store %add3A_392, %arg17[%swap3A_393, %swap3A_394] : memref<1x1xf32, #tpu.memory_space<smem>>
    } else {
    }
    %eq3A_384 = arith.constant 7 : i32
    %eq3A_385 = arith.cmpi eq, %arg0, %eq3A_384 : i32
    %convert_element_type3A_386 = arith.extui %eq3A_385 : i1 to i32
    %cond3A_387 = arith.constant 0 : i32
    %cond3A_388 = arith.cmpi ne, %convert_element_type3A_386, %cond3A_387 : i32
    scf.if %cond3A_388 {
      %get3A_389 = arith.constant 0 : index
      %get3A_390 = arith.constant 0 : index
      %get3A_391 = vector.load %arg16[%get3A_389, %get3A_390] : memref<1x8192xf32, #tpu.memory_space<vmem>>, vector<1x8192xf32>
      %get3A_392 = vector.shape_cast %get3A_391 : vector<1x8192xf32> to vector<8192xf32>
      %mul3A_393 = arith.constant 2.44140625E-4 : f32
      %mul3A_394 = vector.broadcast %mul3A_393 : f32 to vector<8192xf32>
      %mul3A_395 = arith.mulf %get3A_392, %mul3A_394 : vector<8192xf32>
      %add3A_396 = arith.constant 1.000000e-10 : f32
      %add3A_397 = vector.broadcast %add3A_396 : f32 to vector<8192xf32>
      %add3A_398 = arith.addf %mul3A_395, %add3A_397 : vector<8192xf32>
      %log3A = math.log %add3A_398 : vector<8192xf32>
      %mul3A_399 = arith.mulf %mul3A_395, %log3A : vector<8192xf32>
      %reduce_sum3A_400 = vector.shape_cast %mul3A_399 : vector<8192xf32> to vector<1x8192xf32>
      %reduce_sum3A_401 = arith.constant dense<0.000000e+00> : vector<1xf32>
      %reduce_sum3A_402 = vector.multi_reduction <add>, %reduce_sum3A_400, %reduce_sum3A_401 [1] : vector<1x8192xf32> to vector<1xf32>
      %reduce_sum3A_403 = vector.shape_cast %reduce_sum3A_402 : vector<1xf32> to vector<1x1xf32>
      %reduce_sum3A_404 = vector.extract %reduce_sum3A_403[0, 0] : f32 from vector<1x1xf32>
      %neg3A = arith.constant 0.000000e+00 : f32
      %neg3A_405 = arith.subf %neg3A, %reduce_sum3A_404 : f32
      %exp3A = math.exp %neg3A_405 : f32
      %broadcast_in_dim3A_406 = vector.broadcast %exp3A : f32 to vector<1x1xf32>
      %swap3A_407 = arith.constant 0 : index
      %swap3A_408 = arith.constant 0 : index
      %swap3A_409 = vector.load %arg11[%swap3A_407, %swap3A_408] : memref<1x1xf32, #tpu.memory_space<vmem>>, vector<1x1xf32>
      tpu.vector_store %arg11[%swap3A_407, %swap3A_408], %broadcast_in_dim3A_406 {strides = array<i32>} : memref<1x1xf32, #tpu.memory_space<vmem>>, vector<1x1xf32>,
      %get3A_410 = arith.constant 0 : index
      %get3A_411 = arith.constant 0 : index
      %get3A_412 = memref.load %arg17[%get3A_410, %get3A_411] : memref<1x1xf32, #tpu.memory_space<smem>>
      %mul3A_413 = arith.constant 1.250000e+00 : f32
      %mul3A_414 = arith.mulf %mul3A_413, %get3A_412 : f32
      %div3A = arith.constant 0x49800000 : f32
      %div3A_415 = arith.divf %mul3A_414, %div3A : f32
      %broadcast_in_dim3A_416 = vector.broadcast %div3A_415 : f32 to vector<1x1xf32>
      %swap3A_417 = arith.constant 0 : index
      %swap3A_418 = arith.constant 0 : index
      %swap3A_419 = vector.load %arg10[%swap3A_417, %swap3A_418] : memref<1x1xf32, #tpu.memory_space<vmem>>, vector<1x1xf32>
      tpu.vector_store %arg10[%swap3A_417, %swap3A_418], %broadcast_in_dim3A_416 {strides = array<i32>} : memref<1x1xf32, #tpu.memory_space<vmem>>, vector<1x1xf32>,
    } else {
    }
    return
  }
  func.func @transform_0(%arg0: i32) -> (i32, i32, i32) {
    %c0_i32 = arith.constant 0 : i32
    %c0_i32_0 = arith.constant 0 : i32
    %c0_i32_1 = arith.constant 0 : i32
    return %arg0, %c0_i32, %c0_i32_0 : i32, i32, i32
  }
  func.func @transform_1(%arg0: i32) -> (i32, i32) {
    %c0_i32 = arith.constant 0 : i32
    %c0_i32_0 = arith.constant 0 : i32
    %c0_i32_1 = arith.constant 0 : i32
    return %c0_i32, %c0_i32_0 : i32, i32
  }
  func.func @transform_2(%arg0: i32) -> (i32, i32) {
    %c0_i32 = arith.constant 0 : i32
    %c0_i32_0 = arith.constant 0 : i32
    %c0_i32_1 = arith.constant 0 : i32
    return %c0_i32, %c0_i32_0 : i32, i32
  }
  func.func @transform_3(%arg0: i32) -> (i32, i32, i32) {
    %c0_i32 = arith.constant 0 : i32
    %c0_i32_0 = arith.constant 0 : i32
    %c0_i32_1 = arith.constant 0 : i32
    %c0_i32_2 = arith.constant 0 : i32
    return %c0_i32, %c0_i32_0, %c0_i32_1 : i32, i32, i32
  }
  func.func @transform_4(%arg0: i32) -> (i32, i32) {
    %c0_i32 = arith.constant 0 : i32
    %c0_i32_0 = arith.constant 0 : i32
    %c0_i32_1 = arith.constant 0 : i32
    return %c0_i32, %c0_i32_0 : i32, i32
  }
  func.func @transform_5(%arg0: i32) -> (i32, i32, i32) {
    %c0_i32 = arith.constant 0 : i32
    %c0_i32_0 = arith.constant 0 : i32
    %c0_i32_1 = arith.constant 0 : i32
    %c0_i32_2 = arith.constant 0 : i32
    return %c0_i32, %c0_i32_0, %c0_i32_1 : i32, i32, i32
  }
  func.func @transform_6(%arg0: i32) -> (i32, i32) {
    %c0_i32 = arith.constant 0 : i32
    %c0_i32_0 = arith.constant 0 : i32
    %c0_i32_1 = arith.constant 0 : i32
    return %c0_i32, %c0_i32_0 : i32, i32
  }
  func.func @transform_7(%arg0: i32) -> (i32, i32) {
    %c0_i32 = arith.constant 0 : i32
    %c0_i32_0 = arith.constant 0 : i32
    %c0_i32_1 = arith.constant 0 : i32
    return %c0_i32, %c0_i32_0 : i32, i32
  }
  func.func @transform_8(%arg0: i32) -> (i32, i32, i32) {
    %c0_i32 = arith.constant 0 : i32
    %c0_i32_0 = arith.constant 0 : i32
    %c0_i32_1 = arith.constant 0 : i32
    return %arg0, %c0_i32, %c0_i32_0 : i32, i32, i32
  }
  func.func @transform_9(%arg0: i32) -> (i32, i32) {
    %c0_i32 = arith.constant 0 : i32
    %c0_i32_0 = arith.constant 0 : i32
    %c0_i32_1 = arith.constant 0 : i32
    return %c0_i32, %c0_i32_0 : i32, i32
  }
  func.func @transform_10(%arg0: i32) -> (i32, i32) {
    %c0_i32 = arith.constant 0 : i32
    %c0_i32_0 = arith.constant 0 : i32
    %c0_i32_1 = arith.constant 0 : i32
    return %c0_i32, %c0_i32_0 : i32, i32
  }
}

module attributes {stable_mosaic.version = 14 : i64} {
  func.func @_dec_body(%arg0: i32, %arg1: memref<1x512x256xf32, #tpu.memory_space<vmem>>, %arg2: memref<3x256x768xf32, #tpu.memory_space<vmem>>, %arg3: memref<1x768xf32, #tpu.memory_space<vmem>>, %arg4: memref<4x768x768xf32, #tpu.memory_space<vmem>>, %arg5: memref<1x768xf32, #tpu.memory_space<vmem>>, %arg6: memref<4x768x128xf32, #tpu.memory_space<vmem>>, %arg7: memref<1x128xf32, #tpu.memory_space<vmem>>, %arg8: memref<1x4x512x128xf32, #tpu.memory_space<vmem>>, %arg9: memref<514x256xf32, #tpu.memory_space<vmem>>, %arg10: memref<514x768xf32, #tpu.memory_space<vmem>>, %arg11: memref<514x768xf32, #tpu.memory_space<vmem>>, %arg12: memref<514x768xf32, #tpu.memory_space<vmem>>) attributes {dimension_semantics = [#tpu.dimension_semantics<arbitrary>], iteration_bounds = array<i64: 8>, scalar_prefetch = 0 : i64, scratch_operands = 4 : i64, tpu.core_type = #tpu.core_type<tc>, window_params = [{transform_indices = @transform_0, window_bounds = array<i64: 1, 512, 256>}, {pipeline_mode = #tpu.pipeline_mode<synchronous>, transform_indices = @transform_1, window_bounds = array<i64: 3, 256, 768>}, {pipeline_mode = #tpu.pipeline_mode<synchronous>, transform_indices = @transform_2, window_bounds = array<i64: 1, 768>}, {pipeline_mode = #tpu.pipeline_mode<synchronous>, transform_indices = @transform_3, window_bounds = array<i64: 4, 768, 768>}, {pipeline_mode = #tpu.pipeline_mode<synchronous>, transform_indices = @transform_4, window_bounds = array<i64: 1, 768>}, {pipeline_mode = #tpu.pipeline_mode<synchronous>, transform_indices = @transform_5, window_bounds = array<i64: 4, 768, 128>}, {pipeline_mode = #tpu.pipeline_mode<synchronous>, transform_indices = @transform_6, window_bounds = array<i64: 1, 128>}, {transform_indices = @transform_7, window_bounds = array<i64: 1, 4, 512, 128>}]} {
    %broadcast_in_dim3A = arith.constant 0.000000e+00 : f32
    %broadcast_in_dim3A_0 = vector.broadcast %broadcast_in_dim3A : f32 to vector<1x256xf32>
    %swap3A = arith.constant 0 : index
    %swap3A_1 = arith.constant 0 : index
    %swap3A_2 = vector.load %arg9[%swap3A, %swap3A_1] : memref<514x256xf32, #tpu.memory_space<vmem>>, vector<1x256xf32>
    tpu.vector_store %arg9[%swap3A, %swap3A_1], %broadcast_in_dim3A_0 {strides = array<i32>} : memref<514x256xf32, #tpu.memory_space<vmem>>, vector<1x256xf32>,
    %broadcast_in_dim3A_3 = arith.constant 0.000000e+00 : f32
    %broadcast_in_dim3A_4 = vector.broadcast %broadcast_in_dim3A_3 : f32 to vector<1x256xf32>
    %swap3A_5 = arith.constant 513 : index
    %swap3A_6 = arith.constant 0 : index
    %swap3A_7 = vector.load %arg9[%swap3A_5, %swap3A_6] : memref<514x256xf32, #tpu.memory_space<vmem>>, vector<1x256xf32>
    tpu.vector_store %arg9[%swap3A_5, %swap3A_6], %broadcast_in_dim3A_4 {strides = array<i32>} : memref<514x256xf32, #tpu.memory_space<vmem>>, vector<1x256xf32>,
    %get3A = arith.constant 0 : index
    %get3A_8 = arith.constant 0 : index
    %get3A_9 = arith.constant 0 : index
    %get3A_10 = vector.load %arg1[%get3A, %get3A_8, %get3A_9] : memref<1x512x256xf32, #tpu.memory_space<vmem>>, vector<1x512x256xf32>
    %get3A_11 = vector.shape_cast %get3A_10 : vector<1x512x256xf32> to vector<512x256xf32>
    %swap3A_12 = arith.constant 1 : index
    %swap3A_13 = arith.constant 0 : index
    %swap3A_14 = vector.load %arg9[%swap3A_12, %swap3A_13] : memref<514x256xf32, #tpu.memory_space<vmem>>, vector<512x256xf32>
    tpu.vector_store %arg9[%swap3A_12, %swap3A_13], %get3A_11 {strides = array<i32>} : memref<514x256xf32, #tpu.memory_space<vmem>>, vector<512x256xf32>,
    %get3A_15 = arith.constant 0 : index
    %get3A_16 = arith.constant 0 : index
    %get3A_17 = vector.load %arg3[%get3A_15, %get3A_16] : memref<1x768xf32, #tpu.memory_space<vmem>>, vector<1x768xf32>
    %get3A_18 = vector.shape_cast %get3A_17 : vector<1x768xf32> to vector<768xf32>
    %broadcast_in_dim3A_19 = vector.shape_cast %get3A_18 : vector<768xf32> to vector<1x768xf32>
    %get3A_20 = arith.constant 0 : index
    %get3A_21 = arith.constant 0 : index
    %get3A_22 = vector.load %arg9[%get3A_20, %get3A_21] : memref<514x256xf32, #tpu.memory_space<vmem>>, vector<512x256xf32>
    %get3A_23 = arith.constant 0 : index
    %get3A_24 = arith.constant 0 : index
    %get3A_25 = arith.constant 0 : index
    %get3A_26 = vector.load %arg2[%get3A_23, %get3A_24, %get3A_25] : memref<3x256x768xf32, #tpu.memory_space<vmem>>, vector<1x256x768xf32>
    %get3A_27 = vector.shape_cast %get3A_26 : vector<1x256x768xf32> to vector<256x768xf32>
    %dot_general3A = arith.constant dense<0.000000e+00> : vector<512x768xf32>
    %dot_general3A_28 = tpu.matmul %get3A_22, %get3A_27, %dot_general3A {dimension_numbers = #tpu.dot_dimension_numbers<[1], [0], [0], [1], [0, 0, 1, 1], [], []>, transpose_lhs_hint = false} : vector<512x256xf32>, vector<256x768xf32>, vector<512x768xf32> -> vector<512x768xf32>
    %add3A = vector.broadcast %broadcast_in_dim3A_19 : vector<1x768xf32> to vector<512x768xf32>
    %add3A_29 = arith.addf %add3A, %dot_general3A_28 : vector<512x768xf32>
    %get3A_30 = arith.constant 1 : index
    %get3A_31 = arith.constant 0 : index
    %get3A_32 = vector.load %arg9[%get3A_30, %get3A_31] : memref<514x256xf32, #tpu.memory_space<vmem>>, vector<512x256xf32>
    %get3A_33 = arith.constant 1 : index
    %get3A_34 = arith.constant 0 : index
    %get3A_35 = arith.constant 0 : index
    %get3A_36 = vector.load %arg2[%get3A_33, %get3A_34, %get3A_35] : memref<3x256x768xf32, #tpu.memory_space<vmem>>, vector<1x256x768xf32>
    %get3A_37 = vector.shape_cast %get3A_36 : vector<1x256x768xf32> to vector<256x768xf32>
    %dot_general3A_38 = arith.constant dense<0.000000e+00> : vector<512x768xf32>
    %dot_general3A_39 = tpu.matmul %get3A_32, %get3A_37, %dot_general3A_38 {dimension_numbers = #tpu.dot_dimension_numbers<[1], [0], [0], [1], [0, 0, 1, 1], [], []>, transpose_lhs_hint = false} : vector<512x256xf32>, vector<256x768xf32>, vector<512x768xf32> -> vector<512x768xf32>
    %add3A_40 = arith.addf %add3A_29, %dot_general3A_39 : vector<512x768xf32>
    %get3A_41 = arith.constant 2 : index
    %get3A_42 = arith.constant 0 : index
    %get3A_43 = vector.load %arg9[%get3A_41, %get3A_42] : memref<514x256xf32, #tpu.memory_space<vmem>>, vector<512x256xf32>
    %get3A_44 = arith.constant 2 : index
    %get3A_45 = arith.constant 0 : index
    %get3A_46 = arith.constant 0 : index
    %get3A_47 = vector.load %arg2[%get3A_44, %get3A_45, %get3A_46] : memref<3x256x768xf32, #tpu.memory_space<vmem>>, vector<1x256x768xf32>
    %get3A_48 = vector.shape_cast %get3A_47 : vector<1x256x768xf32> to vector<256x768xf32>
    %dot_general3A_49 = arith.constant dense<0.000000e+00> : vector<512x768xf32>
    %dot_general3A_50 = tpu.matmul %get3A_43, %get3A_48, %dot_general3A_49 {dimension_numbers = #tpu.dot_dimension_numbers<[1], [0], [0], [1], [0, 0, 1, 1], [], []>, transpose_lhs_hint = false} : vector<512x256xf32>, vector<256x768xf32>, vector<512x768xf32> -> vector<512x768xf32>
    %add3A_51 = arith.addf %add3A_40, %dot_general3A_50 : vector<512x768xf32>
    %max3A = arith.constant 0.000000e+00 : f32
    %max3A_52 = vector.broadcast %max3A : f32 to vector<512x768xf32>
    %max3A_53 = arith.maximumf %add3A_51, %max3A_52 : vector<512x768xf32>
    %broadcast_in_dim3A_54 = arith.constant 0.000000e+00 : f32
    %broadcast_in_dim3A_55 = vector.broadcast %broadcast_in_dim3A_54 : f32 to vector<1x768xf32>
    %swap3A_56 = arith.constant 0 : index
    %swap3A_57 = arith.constant 0 : index
    %swap3A_58 = vector.load %arg10[%swap3A_56, %swap3A_57] : memref<514x768xf32, #tpu.memory_space<vmem>>, vector<1x768xf32>
    tpu.vector_store %arg10[%swap3A_56, %swap3A_57], %broadcast_in_dim3A_55 {strides = array<i32>} : memref<514x768xf32, #tpu.memory_space<vmem>>, vector<1x768xf32>,
    %swap3A_59 = arith.constant 513 : index
    %swap3A_60 = arith.constant 0 : index
    %swap3A_61 = vector.load %arg10[%swap3A_59, %swap3A_60] : memref<514x768xf32, #tpu.memory_space<vmem>>, vector<1x768xf32>
    tpu.vector_store %arg10[%swap3A_59, %swap3A_60], %broadcast_in_dim3A_55 {strides = array<i32>} : memref<514x768xf32, #tpu.memory_space<vmem>>, vector<1x768xf32>,
    %swap3A_62 = arith.constant 1 : index
    %swap3A_63 = arith.constant 0 : index
    %swap3A_64 = vector.load %arg10[%swap3A_62, %swap3A_63] : memref<514x768xf32, #tpu.memory_space<vmem>>, vector<512x768xf32>
    tpu.vector_store %arg10[%swap3A_62, %swap3A_63], %max3A_53 {strides = array<i32>} : memref<514x768xf32, #tpu.memory_space<vmem>>, vector<512x768xf32>,
    %get3A_65 = arith.constant 0 : index
    %get3A_66 = arith.constant 0 : index
    %get3A_67 = vector.load %arg5[%get3A_65, %get3A_66] : memref<1x768xf32, #tpu.memory_space<vmem>>, vector<1x768xf32>
    %get3A_68 = vector.shape_cast %get3A_67 : vector<1x768xf32> to vector<768xf32>
    %broadcast_in_dim3A_69 = vector.shape_cast %get3A_68 : vector<768xf32> to vector<1x768xf32>
    %get3A_70 = arith.constant 1 : index
    %get3A_71 = arith.constant 0 : index
    %get3A_72 = vector.load %arg10[%get3A_70, %get3A_71] : memref<514x768xf32, #tpu.memory_space<vmem>>, vector<512x768xf32>
    %get3A_73 = arith.constant 1 : index
    %get3A_74 = arith.constant 0 : index
    %get3A_75 = arith.constant 0 : index
    %get3A_76 = vector.load %arg4[%get3A_73, %get3A_74, %get3A_75] : memref<4x768x768xf32, #tpu.memory_space<vmem>>, vector<1x768x768xf32>
    %get3A_77 = vector.shape_cast %get3A_76 : vector<1x768x768xf32> to vector<768x768xf32>
    %dot_general3A_78 = arith.constant dense<0.000000e+00> : vector<512x768xf32>
    %dot_general3A_79 = tpu.matmul %get3A_72, %get3A_77, %dot_general3A_78 {dimension_numbers = #tpu.dot_dimension_numbers<[1], [0], [0], [1], [0, 0, 1, 1], [], []>, transpose_lhs_hint = false} : vector<512x768xf32>, vector<768x768xf32>, vector<512x768xf32> -> vector<512x768xf32>
    %get3A_80 = arith.constant 0 : index
    %get3A_81 = arith.constant 0 : index
    %get3A_82 = vector.load %arg10[%get3A_80, %get3A_81] : memref<514x768xf32, #tpu.memory_space<vmem>>, vector<512x768xf32>
    %get3A_83 = arith.constant 3 : index
    %get3A_84 = arith.constant 0 : index
    %get3A_85 = arith.constant 0 : index
    %get3A_86 = vector.load %arg4[%get3A_83, %get3A_84, %get3A_85] : memref<4x768x768xf32, #tpu.memory_space<vmem>>, vector<1x768x768xf32>
    %get3A_87 = vector.shape_cast %get3A_86 : vector<1x768x768xf32> to vector<768x768xf32>
    %dot_general3A_88 = arith.constant dense<0.000000e+00> : vector<512x768xf32>
    %dot_general3A_89 = tpu.matmul %get3A_82, %get3A_87, %dot_general3A_88 {dimension_numbers = #tpu.dot_dimension_numbers<[1], [0], [0], [1], [0, 0, 1, 1], [], []>, transpose_lhs_hint = false} : vector<512x768xf32>, vector<768x768xf32>, vector<512x768xf32> -> vector<512x768xf32>
    %add3A_90 = arith.addf %dot_general3A_79, %dot_general3A_89 : vector<512x768xf32>
    %add3A_91 = vector.broadcast %broadcast_in_dim3A_69 : vector<1x768xf32> to vector<512x768xf32>
    %add3A_92 = arith.addf %add3A_90, %add3A_91 : vector<512x768xf32>
    %max3A_93 = arith.constant 0.000000e+00 : f32
    %max3A_94 = vector.broadcast %max3A_93 : f32 to vector<512x768xf32>
    %max3A_95 = arith.maximumf %add3A_92, %max3A_94 : vector<512x768xf32>
    %get3A_96 = arith.constant 2 : index
    %get3A_97 = arith.constant 0 : index
    %get3A_98 = vector.load %arg10[%get3A_96, %get3A_97] : memref<514x768xf32, #tpu.memory_space<vmem>>, vector<512x768xf32>
    %get3A_99 = arith.constant 0 : index
    %get3A_100 = arith.constant 0 : index
    %get3A_101 = arith.constant 0 : index
    %get3A_102 = vector.load %arg4[%get3A_99, %get3A_100, %get3A_101] : memref<4x768x768xf32, #tpu.memory_space<vmem>>, vector<1x768x768xf32>
    %get3A_103 = vector.shape_cast %get3A_102 : vector<1x768x768xf32> to vector<768x768xf32>
    %dot_general3A_104 = arith.constant dense<0.000000e+00> : vector<512x768xf32>
    %dot_general3A_105 = tpu.matmul %get3A_98, %get3A_103, %dot_general3A_104 {dimension_numbers = #tpu.dot_dimension_numbers<[1], [0], [0], [1], [0, 0, 1, 1], [], []>, transpose_lhs_hint = false} : vector<512x768xf32>, vector<768x768xf32>, vector<512x768xf32> -> vector<512x768xf32>
    %get3A_106 = arith.constant 1 : index
    %get3A_107 = arith.constant 0 : index
    %get3A_108 = vector.load %arg10[%get3A_106, %get3A_107] : memref<514x768xf32, #tpu.memory_space<vmem>>, vector<512x768xf32>
    %get3A_109 = arith.constant 2 : index
    %get3A_110 = arith.constant 0 : index
    %get3A_111 = arith.constant 0 : index
    %get3A_112 = vector.load %arg4[%get3A_109, %get3A_110, %get3A_111] : memref<4x768x768xf32, #tpu.memory_space<vmem>>, vector<1x768x768xf32>
    %get3A_113 = vector.shape_cast %get3A_112 : vector<1x768x768xf32> to vector<768x768xf32>
    %dot_general3A_114 = arith.constant dense<0.000000e+00> : vector<512x768xf32>
    %dot_general3A_115 = tpu.matmul %get3A_108, %get3A_113, %dot_general3A_114 {dimension_numbers = #tpu.dot_dimension_numbers<[1], [0], [0], [1], [0, 0, 1, 1], [], []>, transpose_lhs_hint = false} : vector<512x768xf32>, vector<768x768xf32>, vector<512x768xf32> -> vector<512x768xf32>
    %add3A_116 = arith.addf %dot_general3A_105, %dot_general3A_115 : vector<512x768xf32>
    %add3A_117 = vector.broadcast %broadcast_in_dim3A_69 : vector<1x768xf32> to vector<512x768xf32>
    %add3A_118 = arith.addf %add3A_116, %add3A_117 : vector<512x768xf32>
    %max3A_119 = arith.constant 0.000000e+00 : f32
    %max3A_120 = vector.broadcast %max3A_119 : f32 to vector<512x768xf32>
    %max3A_121 = arith.maximumf %add3A_118, %max3A_120 : vector<512x768xf32>
    %swap3A_122 = arith.constant 0 : index
    %swap3A_123 = arith.constant 0 : index
    %swap3A_124 = vector.load %arg11[%swap3A_122, %swap3A_123] : memref<514x768xf32, #tpu.memory_space<vmem>>, vector<1x768xf32>
    tpu.vector_store %arg11[%swap3A_122, %swap3A_123], %broadcast_in_dim3A_55 {strides = array<i32>} : memref<514x768xf32, #tpu.memory_space<vmem>>, vector<1x768xf32>,
    %swap3A_125 = arith.constant 513 : index
    %swap3A_126 = arith.constant 0 : index
    %swap3A_127 = vector.load %arg11[%swap3A_125, %swap3A_126] : memref<514x768xf32, #tpu.memory_space<vmem>>, vector<1x768xf32>
    tpu.vector_store %arg11[%swap3A_125, %swap3A_126], %broadcast_in_dim3A_55 {strides = array<i32>} : memref<514x768xf32, #tpu.memory_space<vmem>>, vector<1x768xf32>,
    %swap3A_128 = arith.constant 1 : index
    %swap3A_129 = arith.constant 0 : index
    %swap3A_130 = vector.load %arg11[%swap3A_128, %swap3A_129] : memref<514x768xf32, #tpu.memory_space<vmem>>, vector<512x768xf32>
    tpu.vector_store %arg11[%swap3A_128, %swap3A_129], %max3A_95 {strides = array<i32>} : memref<514x768xf32, #tpu.memory_space<vmem>>, vector<512x768xf32>,
    %swap3A_131 = arith.constant 0 : index
    %swap3A_132 = arith.constant 0 : index
    %swap3A_133 = vector.load %arg12[%swap3A_131, %swap3A_132] : memref<514x768xf32, #tpu.memory_space<vmem>>, vector<1x768xf32>
    tpu.vector_store %arg12[%swap3A_131, %swap3A_132], %broadcast_in_dim3A_55 {strides = array<i32>} : memref<514x768xf32, #tpu.memory_space<vmem>>, vector<1x768xf32>,
    %swap3A_134 = arith.constant 513 : index
    %swap3A_135 = arith.constant 0 : index
    %swap3A_136 = vector.load %arg12[%swap3A_134, %swap3A_135] : memref<514x768xf32, #tpu.memory_space<vmem>>, vector<1x768xf32>
    tpu.vector_store %arg12[%swap3A_134, %swap3A_135], %broadcast_in_dim3A_55 {strides = array<i32>} : memref<514x768xf32, #tpu.memory_space<vmem>>, vector<1x768xf32>,
    %swap3A_137 = arith.constant 1 : index
    %swap3A_138 = arith.constant 0 : index
    %swap3A_139 = vector.load %arg12[%swap3A_137, %swap3A_138] : memref<514x768xf32, #tpu.memory_space<vmem>>, vector<512x768xf32>
    tpu.vector_store %arg12[%swap3A_137, %swap3A_138], %max3A_121 {strides = array<i32>} : memref<514x768xf32, #tpu.memory_space<vmem>>, vector<512x768xf32>,
    %get3A_140 = arith.constant 0 : index
    %get3A_141 = arith.constant 0 : index
    %get3A_142 = vector.load %arg7[%get3A_140, %get3A_141] : memref<1x128xf32, #tpu.memory_space<vmem>>, vector<1x128xf32>
    %get3A_143 = vector.shape_cast %get3A_142 : vector<1x128xf32> to vector<128xf32>
    %broadcast_in_dim3A_144 = vector.shape_cast %get3A_143 : vector<128xf32> to vector<1x128xf32>
    %get3A_145 = arith.constant 1 : index
    %get3A_146 = arith.constant 0 : index
    %get3A_147 = vector.load %arg11[%get3A_145, %get3A_146] : memref<514x768xf32, #tpu.memory_space<vmem>>, vector<512x768xf32>
    %get3A_148 = arith.constant 1 : index
    %get3A_149 = arith.constant 0 : index
    %get3A_150 = arith.constant 0 : index
    %get3A_151 = vector.load %arg6[%get3A_148, %get3A_149, %get3A_150] : memref<4x768x128xf32, #tpu.memory_space<vmem>>, vector<1x768x128xf32>
    %get3A_152 = vector.shape_cast %get3A_151 : vector<1x768x128xf32> to vector<768x128xf32>
    %dot_general3A_153 = arith.constant dense<0.000000e+00> : vector<512x128xf32>
    %dot_general3A_154 = tpu.matmul %get3A_147, %get3A_152, %dot_general3A_153 {dimension_numbers = #tpu.dot_dimension_numbers<[1], [0], [0], [1], [0, 0, 1, 1], [], []>, transpose_lhs_hint = false} : vector<512x768xf32>, vector<768x128xf32>, vector<512x128xf32> -> vector<512x128xf32>
    %get3A_155 = arith.constant 0 : index
    %get3A_156 = arith.constant 0 : index
    %get3A_157 = vector.load %arg12[%get3A_155, %get3A_156] : memref<514x768xf32, #tpu.memory_space<vmem>>, vector<512x768xf32>
    %get3A_158 = arith.constant 3 : index
    %get3A_159 = arith.constant 0 : index
    %get3A_160 = arith.constant 0 : index
    %get3A_161 = vector.load %arg6[%get3A_158, %get3A_159, %get3A_160] : memref<4x768x128xf32, #tpu.memory_space<vmem>>, vector<1x768x128xf32>
    %get3A_162 = vector.shape_cast %get3A_161 : vector<1x768x128xf32> to vector<768x128xf32>
    %dot_general3A_163 = arith.constant dense<0.000000e+00> : vector<512x128xf32>
    %dot_general3A_164 = tpu.matmul %get3A_157, %get3A_162, %dot_general3A_163 {dimension_numbers = #tpu.dot_dimension_numbers<[1], [0], [0], [1], [0, 0, 1, 1], [], []>, transpose_lhs_hint = false} : vector<512x768xf32>, vector<768x128xf32>, vector<512x128xf32> -> vector<512x128xf32>
    %add3A_165 = arith.addf %dot_general3A_154, %dot_general3A_164 : vector<512x128xf32>
    %add3A_166 = vector.broadcast %broadcast_in_dim3A_144 : vector<1x128xf32> to vector<512x128xf32>
    %add3A_167 = arith.addf %add3A_165, %add3A_166 : vector<512x128xf32>
    %swap3A_168 = arith.constant 0 : index
    %swap3A_169 = arith.constant 0 : index
    %swap3A_170 = arith.constant 0 : index
    %swap3A_171 = arith.constant 0 : index
    %swap3A_172 = vector.load %arg8[%swap3A_168, %swap3A_169, %swap3A_170, %swap3A_171] : memref<1x4x512x128xf32, #tpu.memory_space<vmem>>, vector<1x1x512x128xf32>
    %swap3A_173 = vector.shape_cast %swap3A_172 : vector<1x1x512x128xf32> to vector<512x128xf32>
    %swap3A_174 = vector.shape_cast %add3A_167 : vector<512x128xf32> to vector<1x1x512x128xf32>
    tpu.vector_store %arg8[%swap3A_168, %swap3A_169, %swap3A_170, %swap3A_171], %swap3A_174 {strides = array<i32>} : memref<1x4x512x128xf32, #tpu.memory_space<vmem>>, vector<1x1x512x128xf32>,
    %get3A_175 = arith.constant 1 : index
    %get3A_176 = arith.constant 0 : index
    %get3A_177 = vector.load %arg12[%get3A_175, %get3A_176] : memref<514x768xf32, #tpu.memory_space<vmem>>, vector<512x768xf32>
    %get3A_178 = arith.constant 0 : index
    %get3A_179 = arith.constant 0 : index
    %get3A_180 = arith.constant 0 : index
    %get3A_181 = vector.load %arg6[%get3A_178, %get3A_179, %get3A_180] : memref<4x768x128xf32, #tpu.memory_space<vmem>>, vector<1x768x128xf32>
    %get3A_182 = vector.shape_cast %get3A_181 : vector<1x768x128xf32> to vector<768x128xf32>
    %dot_general3A_183 = arith.constant dense<0.000000e+00> : vector<512x128xf32>
    %dot_general3A_184 = tpu.matmul %get3A_177, %get3A_182, %dot_general3A_183 {dimension_numbers = #tpu.dot_dimension_numbers<[1], [0], [0], [1], [0, 0, 1, 1], [], []>, transpose_lhs_hint = false} : vector<512x768xf32>, vector<768x128xf32>, vector<512x128xf32> -> vector<512x128xf32>
    %get3A_185 = arith.constant 1 : index
    %get3A_186 = arith.constant 0 : index
    %get3A_187 = vector.load %arg11[%get3A_185, %get3A_186] : memref<514x768xf32, #tpu.memory_space<vmem>>, vector<512x768xf32>
    %get3A_188 = arith.constant 2 : index
    %get3A_189 = arith.constant 0 : index
    %get3A_190 = arith.constant 0 : index
    %get3A_191 = vector.load %arg6[%get3A_188, %get3A_189, %get3A_190] : memref<4x768x128xf32, #tpu.memory_space<vmem>>, vector<1x768x128xf32>
    %get3A_192 = vector.shape_cast %get3A_191 : vector<1x768x128xf32> to vector<768x128xf32>
    %dot_general3A_193 = arith.constant dense<0.000000e+00> : vector<512x128xf32>
    %dot_general3A_194 = tpu.matmul %get3A_187, %get3A_192, %dot_general3A_193 {dimension_numbers = #tpu.dot_dimension_numbers<[1], [0], [0], [1], [0, 0, 1, 1], [], []>, transpose_lhs_hint = false} : vector<512x768xf32>, vector<768x128xf32>, vector<512x128xf32> -> vector<512x128xf32>
    %add3A_195 = arith.addf %dot_general3A_184, %dot_general3A_194 : vector<512x128xf32>
    %add3A_196 = vector.broadcast %broadcast_in_dim3A_144 : vector<1x128xf32> to vector<512x128xf32>
    %add3A_197 = arith.addf %add3A_195, %add3A_196 : vector<512x128xf32>
    %swap3A_198 = arith.constant 0 : index
    %swap3A_199 = arith.constant 1 : index
    %swap3A_200 = arith.constant 0 : index
    %swap3A_201 = arith.constant 0 : index
    %swap3A_202 = vector.load %arg8[%swap3A_198, %swap3A_199, %swap3A_200, %swap3A_201] : memref<1x4x512x128xf32, #tpu.memory_space<vmem>>, vector<1x1x512x128xf32>
    %swap3A_203 = vector.shape_cast %swap3A_202 : vector<1x1x512x128xf32> to vector<512x128xf32>
    %swap3A_204 = vector.shape_cast %add3A_197 : vector<512x128xf32> to vector<1x1x512x128xf32>
    tpu.vector_store %arg8[%swap3A_198, %swap3A_199, %swap3A_200, %swap3A_201], %swap3A_204 {strides = array<i32>} : memref<1x4x512x128xf32, #tpu.memory_space<vmem>>, vector<1x1x512x128xf32>,
    %get3A_205 = arith.constant 1 : index
    %get3A_206 = arith.constant 0 : index
    %get3A_207 = vector.load %arg12[%get3A_205, %get3A_206] : memref<514x768xf32, #tpu.memory_space<vmem>>, vector<512x768xf32>
    %get3A_208 = arith.constant 1 : index
    %get3A_209 = arith.constant 0 : index
    %get3A_210 = arith.constant 0 : index
    %get3A_211 = vector.load %arg6[%get3A_208, %get3A_209, %get3A_210] : memref<4x768x128xf32, #tpu.memory_space<vmem>>, vector<1x768x128xf32>
    %get3A_212 = vector.shape_cast %get3A_211 : vector<1x768x128xf32> to vector<768x128xf32>
    %dot_general3A_213 = arith.constant dense<0.000000e+00> : vector<512x128xf32>
    %dot_general3A_214 = tpu.matmul %get3A_207, %get3A_212, %dot_general3A_213 {dimension_numbers = #tpu.dot_dimension_numbers<[1], [0], [0], [1], [0, 0, 1, 1], [], []>, transpose_lhs_hint = false} : vector<512x768xf32>, vector<768x128xf32>, vector<512x128xf32> -> vector<512x128xf32>
    %get3A_215 = arith.constant 1 : index
    %get3A_216 = arith.constant 0 : index
    %get3A_217 = vector.load %arg11[%get3A_215, %get3A_216] : memref<514x768xf32, #tpu.memory_space<vmem>>, vector<512x768xf32>
    %get3A_218 = arith.constant 3 : index
    %get3A_219 = arith.constant 0 : index
    %get3A_220 = arith.constant 0 : index
    %get3A_221 = vector.load %arg6[%get3A_218, %get3A_219, %get3A_220] : memref<4x768x128xf32, #tpu.memory_space<vmem>>, vector<1x768x128xf32>
    %get3A_222 = vector.shape_cast %get3A_221 : vector<1x768x128xf32> to vector<768x128xf32>
    %dot_general3A_223 = arith.constant dense<0.000000e+00> : vector<512x128xf32>
    %dot_general3A_224 = tpu.matmul %get3A_217, %get3A_222, %dot_general3A_223 {dimension_numbers = #tpu.dot_dimension_numbers<[1], [0], [0], [1], [0, 0, 1, 1], [], []>, transpose_lhs_hint = false} : vector<512x768xf32>, vector<768x128xf32>, vector<512x128xf32> -> vector<512x128xf32>
    %add3A_225 = arith.addf %dot_general3A_214, %dot_general3A_224 : vector<512x128xf32>
    %add3A_226 = vector.broadcast %broadcast_in_dim3A_144 : vector<1x128xf32> to vector<512x128xf32>
    %add3A_227 = arith.addf %add3A_225, %add3A_226 : vector<512x128xf32>
    %swap3A_228 = arith.constant 0 : index
    %swap3A_229 = arith.constant 2 : index
    %swap3A_230 = arith.constant 0 : index
    %swap3A_231 = arith.constant 0 : index
    %swap3A_232 = vector.load %arg8[%swap3A_228, %swap3A_229, %swap3A_230, %swap3A_231] : memref<1x4x512x128xf32, #tpu.memory_space<vmem>>, vector<1x1x512x128xf32>
    %swap3A_233 = vector.shape_cast %swap3A_232 : vector<1x1x512x128xf32> to vector<512x128xf32>
    %swap3A_234 = vector.shape_cast %add3A_227 : vector<512x128xf32> to vector<1x1x512x128xf32>
    tpu.vector_store %arg8[%swap3A_228, %swap3A_229, %swap3A_230, %swap3A_231], %swap3A_234 {strides = array<i32>} : memref<1x4x512x128xf32, #tpu.memory_space<vmem>>, vector<1x1x512x128xf32>,
    %get3A_235 = arith.constant 2 : index
    %get3A_236 = arith.constant 0 : index
    %get3A_237 = vector.load %arg11[%get3A_235, %get3A_236] : memref<514x768xf32, #tpu.memory_space<vmem>>, vector<512x768xf32>
    %get3A_238 = arith.constant 0 : index
    %get3A_239 = arith.constant 0 : index
    %get3A_240 = arith.constant 0 : index
    %get3A_241 = vector.load %arg6[%get3A_238, %get3A_239, %get3A_240] : memref<4x768x128xf32, #tpu.memory_space<vmem>>, vector<1x768x128xf32>
    %get3A_242 = vector.shape_cast %get3A_241 : vector<1x768x128xf32> to vector<768x128xf32>
    %dot_general3A_243 = arith.constant dense<0.000000e+00> : vector<512x128xf32>
    %dot_general3A_244 = tpu.matmul %get3A_237, %get3A_242, %dot_general3A_243 {dimension_numbers = #tpu.dot_dimension_numbers<[1], [0], [0], [1], [0, 0, 1, 1], [], []>, transpose_lhs_hint = false} : vector<512x768xf32>, vector<768x128xf32>, vector<512x128xf32> -> vector<512x128xf32>
    %get3A_245 = arith.constant 1 : index
    %get3A_246 = arith.constant 0 : index
    %get3A_247 = vector.load %arg12[%get3A_245, %get3A_246] : memref<514x768xf32, #tpu.memory_space<vmem>>, vector<512x768xf32>
    %get3A_248 = arith.constant 2 : index
    %get3A_249 = arith.constant 0 : index
    %get3A_250 = arith.constant 0 : index
    %get3A_251 = vector.load %arg6[%get3A_248, %get3A_249, %get3A_250] : memref<4x768x128xf32, #tpu.memory_space<vmem>>, vector<1x768x128xf32>
    %get3A_252 = vector.shape_cast %get3A_251 : vector<1x768x128xf32> to vector<768x128xf32>
    %dot_general3A_253 = arith.constant dense<0.000000e+00> : vector<512x128xf32>
    %dot_general3A_254 = tpu.matmul %get3A_247, %get3A_252, %dot_general3A_253 {dimension_numbers = #tpu.dot_dimension_numbers<[1], [0], [0], [1], [0, 0, 1, 1], [], []>, transpose_lhs_hint = false} : vector<512x768xf32>, vector<768x128xf32>, vector<512x128xf32> -> vector<512x128xf32>
    %add3A_255 = arith.addf %dot_general3A_244, %dot_general3A_254 : vector<512x128xf32>
    %add3A_256 = vector.broadcast %broadcast_in_dim3A_144 : vector<1x128xf32> to vector<512x128xf32>
    %add3A_257 = arith.addf %add3A_255, %add3A_256 : vector<512x128xf32>
    %swap3A_258 = arith.constant 0 : index
    %swap3A_259 = arith.constant 3 : index
    %swap3A_260 = arith.constant 0 : index
    %swap3A_261 = arith.constant 0 : index
    %swap3A_262 = vector.load %arg8[%swap3A_258, %swap3A_259, %swap3A_260, %swap3A_261] : memref<1x4x512x128xf32, #tpu.memory_space<vmem>>, vector<1x1x512x128xf32>
    %swap3A_263 = vector.shape_cast %swap3A_262 : vector<1x1x512x128xf32> to vector<512x128xf32>
    %swap3A_264 = vector.shape_cast %add3A_257 : vector<512x128xf32> to vector<1x1x512x128xf32>
    tpu.vector_store %arg8[%swap3A_258, %swap3A_259, %swap3A_260, %swap3A_261], %swap3A_264 {strides = array<i32>} : memref<1x4x512x128xf32, #tpu.memory_space<vmem>>, vector<1x1x512x128xf32>,
    return
  }
  func.func @transform_0(%arg0: i32) -> (i32, i32, i32) {
    %c0_i32 = arith.constant 0 : i32
    %c0_i32_0 = arith.constant 0 : i32
    %c0_i32_1 = arith.constant 0 : i32
    return %arg0, %c0_i32, %c0_i32_0 : i32, i32, i32
  }
  func.func @transform_1(%arg0: i32) -> (i32, i32, i32) {
    %c0_i32 = arith.constant 0 : i32
    %c0_i32_0 = arith.constant 0 : i32
    %c0_i32_1 = arith.constant 0 : i32
    %c0_i32_2 = arith.constant 0 : i32
    return %c0_i32, %c0_i32_0, %c0_i32_1 : i32, i32, i32
  }
  func.func @transform_2(%arg0: i32) -> (i32, i32) {
    %c0_i32 = arith.constant 0 : i32
    %c0_i32_0 = arith.constant 0 : i32
    %c0_i32_1 = arith.constant 0 : i32
    return %c0_i32, %c0_i32_0 : i32, i32
  }
  func.func @transform_3(%arg0: i32) -> (i32, i32, i32) {
    %c0_i32 = arith.constant 0 : i32
    %c0_i32_0 = arith.constant 0 : i32
    %c0_i32_1 = arith.constant 0 : i32
    %c0_i32_2 = arith.constant 0 : i32
    return %c0_i32, %c0_i32_0, %c0_i32_1 : i32, i32, i32
  }
  func.func @transform_4(%arg0: i32) -> (i32, i32) {
    %c0_i32 = arith.constant 0 : i32
    %c0_i32_0 = arith.constant 0 : i32
    %c0_i32_1 = arith.constant 0 : i32
    return %c0_i32, %c0_i32_0 : i32, i32
  }
  func.func @transform_5(%arg0: i32) -> (i32, i32, i32) {
    %c0_i32 = arith.constant 0 : i32
    %c0_i32_0 = arith.constant 0 : i32
    %c0_i32_1 = arith.constant 0 : i32
    %c0_i32_2 = arith.constant 0 : i32
    return %c0_i32, %c0_i32_0, %c0_i32_1 : i32, i32, i32
  }
  func.func @transform_6(%arg0: i32) -> (i32, i32) {
    %c0_i32 = arith.constant 0 : i32
    %c0_i32_0 = arith.constant 0 : i32
    %c0_i32_1 = arith.constant 0 : i32
    return %c0_i32, %c0_i32_0 : i32, i32
  }
  func.func @transform_7(%arg0: i32) -> (i32, i32, i32, i32) {
    %c0_i32 = arith.constant 0 : i32
    %c0_i32_0 = arith.constant 0 : i32
    %c0_i32_1 = arith.constant 0 : i32
    %c0_i32_2 = arith.constant 0 : i32
    return %arg0, %c0_i32, %c0_i32_0, %c0_i32_1 : i32, i32, i32, i32
  }
}

</mosaic_0001>

<sc_bundles>
// kernel: kernel.5.cloned.1.call-start
scs
__scs_entry_jumppad:
0x0: {  	(pc) =	sbr.rel $0x88, $3  }
0x1: {  	(tag) =	ssettag $0x0;
	lr =	simm.s32 $0x1  }
0x2: {  	[smem:$0x3F93] =	sst lr;
	_ =	strace $0xD0000000  }
0x3: {  	_ = 	snop  }
0x4: {  	_ = 	snop  }
0x5: {  	_ = 	snop  }
0x6: {  	_ = 	snop  }
0x7: {  	_ = 	snop  }
__scs_overlays_trampoline_lowered:
0x8: {  	[smem:$0x3FA2] =	sst s0  }
0x9: {  	[smem:$0x3FA3] =	sst s1  }
0xa: {  	[smem:$0x3FA4] =	sst s2  }
0xb: {  	[smem:$0x3FA5] =	sst s3  }
0xc: {  	[smem:$0x3FA6] =	sst s4  }
0xd: {  	[smem:$0x3FA7] =	sst s5  }
0xe: {  	[smem:$0x3FA8] =	sst s6  }
0xf: {  	[smem:$0x3FA9] =	sst s7  }
0x10: {  	[smem:$0x3FAA] =	sst s8  }
0x11: {  	[smem:$0x3FAB] =	sst s9;
	s0 =	simm.s32 @!p0 $0x0  }
0x12: {  	s1 =	sld [smem:$0x3F91];
	s0 =	simm.s32 @p0 $0x1  }
0x13: {  	[smem:$0x3FAC] =	sst s0;
	s0 =	simm.s32 @!p1 $0x0  }
0x14: {  	s2 =	sld [smem:$0x3F90];
	s0 =	simm.s32 @p1 $0x1  }
0x15: {  	[smem:$0x3FAD] =	sst s0;
	s0 =	simm.s32 @!p2 $0x0  }
0x16: {  	s3 =	sld [smem:$0x3FDB];
	s0 =	simm.s32 @p2 $0x1  }
0x17: {  	s4 =	simm.s32 $0x1BF5;
	[smem:$0x3FAF] =	sst s0  }
0x18: {  	s0 =	sld [smem:$0x3F92];
	_ =	swait.ge [sflag:s4], $0x0  }
0x19: {  	s7 =	sld [smem:$0x3F93]  }
0x1a: {  	s8 =	sadd.s32 $0xFFFFE003, lr  }
0x1b: {  	s9 =	sadd.s32 $0xFFFFFEF7, lr;
	s5 =	simm.s32 $0xFFFFFFFF;
	p2 =	slt.u32 s8, $0xFFFFF086  }
0x1c: {  	p1 =	slt.u32 s9, $0xF7A;
	s5 =	simm.s32 @!p2 $0x0  }
0x1d: {  	s5 =	simm.s32 @p1 $0x1;
	p0 =	seq.s32 s7, s2  }
0x1e: {  	s7 =	smul.u32 @!p0 $0xF7A, s2;
	p2 =	seq.s32 @!p0 s5, $0x0  }
0x1f: {  	s9 =	smul.u32 $0xF7A, s1;
	s8 =	simm.s32 @!p0 $0x1BF5;
	p2 =	por !p2, p0  }
0x20: {  	[sflag:s8] =	ssyncset.s32 @!p0 $0xFFFFF086;
	s6 =	sadd.s32 @!p0 s3, s7;
	s7 =	simm.s32 @!p0 $0x108  }
0x21: {  	s3 =	sadd.s32 s3, s9;
	s6 =	sadd.s32 @!p0 $0x88, s6;
	s7 =	simm.s32 @p2 $0x1082  }
0x22: {  	[simem:s7], [sflag:s8] =	dma.local @!p0 [hbm:s6], $0xF7A  }
0x23: {  	s9 =	sor.u32 $0xD0000000, s2;
	s6 =	simm.s32 $0x108;
	_ =	swait.ge @!p0 [sflag:s8], $0x0  }
0x24: {  	s3 =	sadd.s32 $0x88, s3;
	s6 =	simm.s32 @!p1 $0x1082;
	[sflag:s4] =	ssyncset.s32 $0xFFFFF086  }
0x25: {  	[simem:s6], [sflag:s4] =	dma.local [hbm:s3], $0xF7A  }
0x26: {  	[smem:$0x3F93] =	sst s1;
	(tag) =	ssettag s2;
	_ =	strace s9  }
0x27: {  	s1 =	sld [smem:$0x3FA3]  }
0x28: {  	s2 =	sld [smem:$0x3FA4]  }
0x29: {  	s4 =	sld [smem:$0x3FA6]  }
0x2a: {  	p0 =	seq.s32 s5, $0x0;
	s5 =	sld [smem:$0x3FA7]  }
0x2b: {  	s6 =	sld [smem:$0x3FA8]  }
0x2c: {  	s7 =	sld [smem:$0x3FA9]  }
0x2d: {  	s3 =	simm.s32 $0x108;
	s8 =	sld [smem:$0x3FAA]  }
0x2e: {  	s3 =	simm.s32 @!p0 $0x1082;
	s9 =	sld [smem:$0x3FAB]  }
0x2f: {  	lr =	sadd.s32 s0, s3;
	s0 =	sld [smem:$0x3FA2]  }
0x30: {  	s3 =	sld [smem:$0x3FA5]  }
0x31: {  	[smem:$0x3FAE] =	sst s10  }
0x32: {  	s10 =	sld [smem:$0x3FAC];
	_ =	sdelay $0x3  }
0x33: {  	p0 =	seq.s32 s10, $0x1;
	s10 =	sld [smem:$0x3FAE];
	_ =	sdelay $0x3  }
0x34: {  	[smem:$0x3FAE] =	sst s10  }
0x35: {  	s10 =	sld [smem:$0x3FAD];
	_ =	sdelay $0x3  }
0x36: {  	p1 =	seq.s32 s10, $0x1;
	s10 =	sld [smem:$0x3FAE];
	_ =	sdelay $0x3  }
0x37: {  	[smem:$0x3FAE] =	sst s10  }
0x38: {  	s10 =	sld [smem:$0x3FAF]  }
0x39: {  	_ = 	snop;
	(pc) =	sbr.ind lr, $3  }
0x3a: {  	_ = 	snop  }
0x3b: {  	_ = 	snop  }
0x3c: {  	p2 =	seq.s32 s10, $0x1;
	s10 =	sld [smem:$0x3FAE]  }
0x3d: {  	_ =	shalt  }
0x3e: {  	_ =	shalt  }
0x3f: {  	_ =	shalt  }
0x40: {  	_ =	shalt  }
0x41: {  	_ =	shalt  }
0x42: {  	_ =	shalt  }
0x43: {  	_ =	shalt  }
0x44: {  	_ =	shalt  }
0x45: {  	_ =	shalt  }
0x46: {  	_ =	shalt  }
0x47: {  	_ =	shalt  }
0x48: {  	_ =	shalt  }
0x49: {  	_ =	shalt  }
0x4a: {  	_ =	shalt  }
0x4b: {  	_ =	shalt  }
0x4c: {  	_ =	shalt  }
0x4d: {  	_ =	shalt  }
0x4e: {  	_ =	shalt  }
0x4f: {  	_ =	shalt  }
0x50: {  	_ =	shalt  }
0x51: {  	_ =	shalt  }
0x52: {  	_ =	shalt  }
0x53: {  	_ =	shalt  }
0x54: {  	_ =	shalt  }
0x55: {  	_ =	shalt  }
0x56: {  	_ =	shalt  }
0x57: {  	_ =	shalt  }
0x58: {  	_ =	shalt  }
0x59: {  	_ =	shalt  }
0x5a: {  	_ =	shalt  }
0x5b: {  	_ =	shalt  }
0x5c: {  	_ =	shalt  }
0x5d: {  	_ =	shalt  }
0x5e: {  	_ =	shalt  }
0x5f: {  	_ =	shalt  }
0x60: {  	_ =	shalt  }
0x61: {  	_ =	shalt  }
0x62: {  	_ =	shalt  }
0x63: {  	_ =	shalt  }
0x64: {  	_ =	shalt  }
0x65: {  	_ =	shalt  }
0x66: {  	_ =	shalt  }
0x67: {  	_ =	shalt  }
0x68: {  	_ =	shalt  }
0x69: {  	_ =	shalt  }
0x6a: {  	_ =	shalt  }
0x6b: {  	_ =	shalt  }
0x6c: {  	_ =	shalt  }
0x6d: {  	_ =	shalt  }
0x6e: {  	_ =	shalt  }
0x6f: {  	_ =	shalt  }
0x70: {  	_ =	shalt  }
0x71: {  	_ =	shalt  }
0x72: {  	_ =	shalt  }
0x73: {  	_ =	shalt  }
0x74: {  	_ =	shalt  }
0x75: {  	_ =	shalt  }
0x76: {  	_ =	shalt  }
0x77: {  	_ =	shalt  }
0x78: {  	_ =	shalt  }
0x79: {  	_ =	shalt  }
0x7a: {  	_ =	shalt  }
0x7b: {  	_ =	shalt  }
0x7c: {  	_ =	shalt  }
0x7d: {  	_ =	shalt  }
0x7e: {  	_ =	shalt  }
0x7f: {  	_ =	shalt  }
0x80: {  	_ =	shalt  }
0x81: {  	_ =	shalt  }
0x82: {  	_ =	shalt  }
0x83: {  	_ =	shalt  }
0x84: {  	_ =	shalt  }
0x85: {  	_ =	shalt  }
0x86: {  	_ =	shalt  }
0x87: {  	_ =	shalt  }
.Lfunc_end0:
.L_simem_size_0:
called_computation_lowered:
.L_overlay_start_0:
0x88: {  	s2 =	sld [smem:$0x3FD9]  }
0x89: {  	s3 =	sld [smem:$0x3FFE];
	_ =	sdelay $0x1  }
0x8a: {  	s1 =	srdreg.scid  }
0x8b: {  	s0 =	sand.u32 $0x1, s1  }
0x8c: {  	s14 =	sshll.u32 s0, $0xA;
	s2 =	sadd.s32 s3, s2  }
0x8d: {  	s2 =	sadd.s32 s2, s14  }
0x8e: {  	[smem:$0x3FBA] =	sst s2  }
0x8f: {  	_ = 	snop  }
0x90: {  	s2 =	sld [smem:$0x3FD0];
	_ =	sdelay $0x2  }
0x91: {  	s4 =	simm.s32 $0xA;
	s5 =	simm.s32 $0x10;
	s15 =	sld [smem:$0x3FC2]  }
0x92: {  	[smem:s5], [sflag:s4] =	dma.local [hbm:s2], $0x1  }
0x93: {  	_ =	swait.eq [sflag:s4], $0x1  }
0x94: {  	[sflag:s4] =	ssyncset.done $0x0  }
0x95: {  	[sflag:s4] =	ssyncadd.s32 $0xFFFFFFFF  }
0x96: {  	s16 =	sld [smem:$0x11];
	(tm) =	ssettm $0x1  }
0x97: {  	s17 =	sld [smem:$0x3FFB];
	_ =	sdelay $0x3  }
0x98: {  	_ =	strace s17  }
0x99: {  	s4 =	sld [smem:$0x3FFC];
	_ =	sdelay $0x3  }
0x9a: {  	_ =	strace s4  }
0x9b: {  	s4 =	sld [smem:$0x3FFD];
	_ =	sdelay $0x3  }
0x9c: {  	_ =	strace s4  }
0x9d: {  	_ =	strace $0x8FFFFFFF  }
0x9e: {  	s18 =	sld [smem:$0x3FDB];
	_ =	sdelay $0x1  }
0x9f: {  	s19 =	simm.s32 $_scs_section_size  }
0xa0: {  	s6 =	simm.s32 $_size__tile_overlayer_lowered;
	s7 =	simm.s32 $_tile_overlayer_lowered  }
0xa1: {  	s22 =	simm.s32 $0x1BFF;
	s21 =	sshll.u32 s7, $0x1;
	s4 =	sadd.s32 s19, s18  }
0xa2: {  	s8 =	simm.s32 $0x0;
	s20 =	sshll.u32 s6, $0x1;
	s6 =	sadd.s32 s21, s4  }
0xa3: {  	[timem:s8], [sflag:s22] =	dma.local [hbm:s6], s20  }
0xa4: {  	_ =	swait.ge [sflag:s22], s20  }
0xa5: {  	s5 =	ssub.s32 $0x0, s20;
	[sflag:s22] =	ssyncset.done $0x0  }
0xa6: {  	[sflag:s22] =	ssyncadd.s32 s5;
	_ =	sdelay $0x1  }
0xa7: {  	s23 =	simm.s32 $0x1B8B  }
0xa8: {  	_ =	swait.ge [sflag:s23], $0x1  }
0xa9: {  	[sflag:s23] =	ssyncset.done $0x0  }
0xaa: {  	s25 =	simm.s32 $0x1B8E;
	s24 =	sld [smem:$0x3FFE];
	[sflag:s23] =	ssyncadd.s32 $0xFFFFFFFF  }
0xab: {  	s26 =	simm.s32 $execute0_lowered;
	[smem:$0x3FD2] =	sst s25  }
0xac: {  	s6 =	sshll.u32 s26, $0x1;
	_ =	strace $0x80000046;
	[dreg:$0x1] =	wrdreg $0xFFFFFFFF  }
0xad: {  	s28 =	simm.s32 $_size_execute0_lowered;
	s4 =	sadd.s32 s4, s6;
	[dreg:$0x0] =	wrdreg $0x0  }
0xae: {  	s6 =	sshll.u32 s28, $0x1;
	[dreg:$0x2] =	wrdreg s4  }
0xaf: {  	[dreg:$0x3] =	wrdreg s6  }
0xb0: {  	[dreg:$0x4] =	wrdreg $0xC0  }
0xb1: {  	_ =	task [dreg:s8], $0x5FFFF  }
0xb2: {  	[dreg:$0x1] =	wrdreg $0xFFFFFFFF  }
0xb3: {  	[dreg:$0x0] =	wrdreg $0x60  }
0xb4: {  	[dreg:$0x2] =	wrdreg s15  }
0xb5: {  	[dreg:$0x3] =	wrdreg s24  }
0xb6: {  	[dreg:$0x4] =	wrdreg s16  }
0xb7: {  	[dreg:$0x5] =	wrdreg $0x9  }
0xb8: {  	_ =	task.clear_ibuf [dreg:s8], $0x6FFFF;
	_ =	strace $0x90000046  }
0xb9: {  	s29 =	simm.s32 $0x9;
	_ =	strace $0x80000048  }
0xba: {  	_ =	swait.ge [sflag:s29], $0x1  }
0xbb: {  	[sflag:s29] =	ssyncadd.s32 $0xFFFFFFFF  }
0xbc: {  	_ =	strace $0x90000048  }
0xbd: {  	_ =	sfence  }
0xbe: {  	s30 =	sld [smem:$0x0];
	_ =	sdelay $0x2  }
0xbf: {  	s31 =	sshll.u32 s1, $0xD;
	s1 =	sshrl.u32 s1, $0x2  }
0xc0: {  	s3 =	sand.u32 $0x4000, s31;
	s1 =	sadd.s32 s1, s30  }
0xc1: {  	s0 =	sor.u32 s3, s0;
	s1 =	sshll.u32 s1, $0x11  }
0xc2: {  	s0 =	sor.u32 s1, s0  }
0xc3: {  	s0 =	sadd.s32 $0x8F2B, s0  }
0xc4: {  	[sflag:s0] =	ssyncadd.remote.s32 $0x1  }
0xc5: {  	_ =	sfence.sel $0xFFFF  }
0xc6: {  	[dreg:$0x0] =	wrdreg $0xFFFFFFFF;
	(pc) =	sbr.abs _section_cstart, $3  }
0xc7: {  	[dreg:$0x1] =	wrdreg $0xFFFFFFFF  }
0xc8: {  	_ =	task.clear_ibuf [dreg:s8], $0x2FFFF;
	_ =	strace $0x9FFFFFFF  }
0xc9: {  	(tm) =	ssettm $0x7FFFFFFF  }
tec
execute0_lowered:
.L_overlay_start_1:
0x0: {  	(tag) =	ssettag $0x1  }
0x1: {  	s1 =	rddreg [dreg:$0x0]  }
0x2: {  	s4 =	rddreg [dreg:$0x1]  }
0x3: {  	s5 =	rddreg [dreg:$0x2];
	s3 =	srdreg.scid  }
0x4: {  	s0 =	rddreg [dreg:$0x3];
	s2 =	stileid.u32;
	s10 =	simm.s32 $0x1080  }
0x5: {  	s11 =	simm.s32 $0x1880;
	s12 =	simm.s32 $0x2080;
	s13 =	simm.s32 $0x2880  }
0x6: {  	s14 =	simm.s32 $0x3080;
	s15 =	simm.s32 $0x3880;
	s16 =	simm.s32 $0x4080  }
0x7: {  	s17 =	simm.s32 $0x4880;
	s18 =	simm.s32 $0x5080;
	s19 =	simm.s32 $0x5880  }
0x8: {  	s20 =	simm.s32 $0x6080;
	s21 =	simm.s32 $0x6880;
	s22 =	simm.s32 $0x7080  }
0x9: {  	s23 =	simm.s32 $0x7880;
	s24 =	simm.s32 $0x1;
	s6 =	sand.u32 $0x1, s3  }
0xa: {  	s3 =	simm.s32 $0x0;
	s7 =	sshll.u32 s2, $0x8;
	s8 =	sshll.u32 s6, $0x7  }
0xb: {  	[smem:$0x7FF] =	sst s3;
	s6 =	ssub.s32 $0x2, s6;
	s7 =	sor.u32 s8, s7  }
0xc: {  	_ =	strace $0x80000047;
	s9 =	sshrl.u32 s6, $0x1;
	s8 =	sshrl.u32 s7, $0x3  }
0xd: {  	v2 =	vlaneseq.u32;
	s6 =	ssub.s32 s6, s9;
	s7 =	sshll.u32 s7, $0x5;
	s9 =	simm.s32 $0x880  }
0xe: {  	vm0 =	vmmov $0xffff;
	v1 =	vshrl.u32 v2, $0x3;
	s4 =	sadd.s32 s8, s4;
	s5 =	sadd.s32 s5, s7;
	s6 =	smax.u32 s6, $0x1  }
0xf: {  	v0 =	vand.u32 $0x7, v2;
	v2 =	vor.u32 $0x8, v2;
	v1 =	vmul.u32 $0x8, v1;
	s7 =	simm.s32 $0x2;
	s8 =	simm.s32 $0x80;
	s4 =	sadd.s32 $0x3400, s4  }
.LBB2_1:
0x10: {  	[tilespmem:s3], [sflag:$0x2] =	stream.linear.gather [hbm4b:s4+s3], $0x80, $0x38;
	[tilespmem:$0x8080] =	vst v63  }
0x11: {  	_ =	swait.ge [sflag:s7], $0x80  }
0x12: {  	[sflag:s7] =	ssyncset.done $0x0  }
0x13: {  	[sflag:s7] =	ssyncadd.s32 $0xFFFFFF80  }
0x14: {  	v3 =	vld [tilespmem:$0x0];
	_ =	sdelay $0x4  }
0x15: {  	v4 =	vshll.u32 v3, $0x1  }
0x16: {  	v3 =	vand.u32 $0x7, v3;
	v4 =	vand.u32 $0xFFFFFFF0, v4  }
0x17: {  	v3 =	vor.u32 v3, v4  }
0x18: {  	v4 =	vperm.xlane v3, v0;
	_ =	sdelay $0x1  }
0x19: {  	v3 =	vperm.xlane v3, v2;
	v4 =	vadd.s32 v1, v4;
	_ =	sdelay $0x1  }
0x1a: {  	v3 =	vadd.s32 v1, v3;
	_ =	sdelay $0x2  }
0x1b: {  	[tilespmem:s8], [sflag:$0x1] =	stream.indirect_vreg.gather [hbm4b:s1+s3], $0x80, v4, vm0, $0xb8;
	[tilespmem:$0x8080] =	vst v63  }
0x1c: {  	_ = 	snop  }
0x1d: {  	[tilespmem:s9], [sflag:$0x1] =	stream.indirect_vreg.gather [hbm4b:s1+s3], $0x80, v3, vm0, $0xb8;
	[tilespmem:$0x8080] =	vst v63  }
0x1e: {  	v3 =	vld [tilespmem:$0x10];
	_ =	sdelay $0x4  }
0x1f: {  	v57 =	vshll.u32 v3, $0x1  }
0x20: {  	v3 =	vand.u32 $0x7, v3;
	v4 =	vand.u32 $0xFFFFFFF0, v57  }
0x21: {  	v3 =	vor.u32 v3, v4  }
0x22: {  	v4 =	vperm.xlane v3, v0;
	_ =	sdelay $0x1  }
0x23: {  	v3 =	vperm.xlane v3, v2;
	v4 =	vadd.s32 v1, v4;
	_ =	sdelay $0x1  }
0x24: {  	v3 =	vadd.s32 v1, v3;
	_ =	sdelay $0x2  }
0x25: {  	[tilespmem:s10], [sflag:$0x1] =	stream.indirect_vreg.gather [hbm4b:s1+s3], $0x80, v4, vm0, $0xb8;
	[tilespmem:$0x8080] =	vst v63  }
0x26: {  	_ = 	snop  }
0x27: {  	[tilespmem:s11], [sflag:$0x1] =	stream.indirect_vreg.gather [hbm4b:s1+s3], $0x80, v3, vm0, $0xb8;
	[tilespmem:$0x8080] =	vst v63  }
0x28: {  	v3 =	vld [tilespmem:$0x20];
	_ =	sdelay $0x4  }
0x29: {  	v58 =	vshll.u32 v3, $0x1  }
0x2a: {  	v3 =	vand.u32 $0x7, v3;
	v4 =	vand.u32 $0xFFFFFFF0, v58  }
0x2b: {  	v3 =	vor.u32 v3, v4  }
0x2c: {  	v4 =	vperm.xlane v3, v0;
	_ =	sdelay $0x1  }
0x2d: {  	v3 =	vperm.xlane v3, v2;
	v4 =	vadd.s32 v1, v4;
	_ =	sdelay $0x1  }
0x2e: {  	v3 =	vadd.s32 v1, v3;
	_ =	sdelay $0x2  }
0x2f: {  	[tilespmem:s12], [sflag:$0x1] =	stream.indirect_vreg.gather [hbm4b:s1+s3], $0x80, v4, vm0, $0xb8;
	[tilespmem:$0x8080] =	vst v63  }
0x30: {  	_ = 	snop  }
0x31: {  	[tilespmem:s13], [sflag:$0x1] =	stream.indirect_vreg.gather [hbm4b:s1+s3], $0x80, v3, vm0, $0xb8;
	[tilespmem:$0x8080] =	vst v63  }
0x32: {  	v3 =	vld [tilespmem:$0x30];
	_ =	sdelay $0x4  }
0x33: {  	v59 =	vshll.u32 v3, $0x1  }
0x34: {  	v3 =	vand.u32 $0x7, v3;
	v4 =	vand.u32 $0xFFFFFFF0, v59  }
0x35: {  	v3 =	vor.u32 v3, v4  }
0x36: {  	v4 =	vperm.xlane v3, v0;
	_ =	sdelay $0x1  }
0x37: {  	v3 =	vperm.xlane v3, v2;
	v4 =	vadd.s32 v1, v4;
	_ =	sdelay $0x1  }
0x38: {  	v3 =	vadd.s32 v1, v3;
	_ =	sdelay $0x2  }
0x39: {  	[tilespmem:s14], [sflag:$0x1] =	stream.indirect_vreg.gather [hbm4b:s1+s3], $0x80, v4, vm0, $0xb8;
	[tilespmem:$0x8080] =	vst v63  }
0x3a: {  	_ = 	snop  }
0x3b: {  	[tilespmem:s15], [sflag:$0x1] =	stream.indirect_vreg.gather [hbm4b:s1+s3], $0x80, v3, vm0, $0xb8;
	[tilespmem:$0x8080] =	vst v63  }
0x3c: {  	v3 =	vld [tilespmem:$0x40];
	_ =	sdelay $0x4  }
0x3d: {  	v60 =	vshll.u32 v3, $0x1  }
0x3e: {  	v3 =	vand.u32 $0x7, v3;
	v4 =	vand.u32 $0xFFFFFFF0, v60  }
0x3f: {  	v3 =	vor.u32 v3, v4  }
0x40: {  	v4 =	vperm.xlane v3, v0;
	_ =	sdelay $0x1  }
0x41: {  	v3 =	vperm.xlane v3, v2;
	v4 =	vadd.s32 v1, v4;
	_ =	sdelay $0x1  }
0x42: {  	v3 =	vadd.s32 v1, v3;
	_ =	sdelay $0x2  }
0x43: {  	[tilespmem:s16], [sflag:$0x1] =	stream.indirect_vreg.gather [hbm4b:s1+s3], $0x80, v4, vm0, $0xb8;
	[tilespmem:$0x8080] =	vst v63  }
0x44: {  	_ = 	snop  }
0x45: {  	[tilespmem:s17], [sflag:$0x1] =	stream.indirect_vreg.gather [hbm4b:s1+s3], $0x80, v3, vm0, $0xb8;
	[tilespmem:$0x8080] =	vst v63  }
0x46: {  	v3 =	vld [tilespmem:$0x50];
	_ =	sdelay $0x4  }
0x47: {  	v61 =	vshll.u32 v3, $0x1  }
0x48: {  	v3 =	vand.u32 $0x7, v3;
	v4 =	vand.u32 $0xFFFFFFF0, v61  }
0x49: {  	v3 =	vor.u32 v3, v4  }
0x4a: {  	v4 =	vperm.xlane v3, v0;
	_ =	sdelay $0x1  }
0x4b: {  	v3 =	vperm.xlane v3, v2;
	v4 =	vadd.s32 v1, v4;
	_ =	sdelay $0x1  }
0x4c: {  	v3 =	vadd.s32 v1, v3;
	_ =	sdelay $0x2  }
0x4d: {  	[tilespmem:s18], [sflag:$0x1] =	stream.indirect_vreg.gather [hbm4b:s1+s3], $0x80, v4, vm0, $0xb8;
	[tilespmem:$0x8080] =	vst v63  }
0x4e: {  	_ = 	snop  }
0x4f: {  	[tilespmem:s19], [sflag:$0x1] =	stream.indirect_vreg.gather [hbm4b:s1+s3], $0x80, v3, vm0, $0xb8;
	[tilespmem:$0x8080] =	vst v63  }
0x50: {  	v3 =	vld [tilespmem:$0x60];
	_ =	sdelay $0x4  }
0x51: {  	v62 =	vshll.u32 v3, $0x1  }
0x52: {  	v3 =	vand.u32 $0x7, v3;
	v4 =	vand.u32 $0xFFFFFFF0, v62  }
0x53: {  	v3 =	vor.u32 v3, v4  }
0x54: {  	v4 =	vperm.xlane v3, v0;
	_ =	sdelay $0x1  }
0x55: {  	v3 =	vperm.xlane v3, v2;
	v4 =	vadd.s32 v1, v4;
	_ =	sdelay $0x1  }
0x56: {  	v3 =	vadd.s32 v1, v3;
	_ =	sdelay $0x2  }
0x57: {  	[tilespmem:s20], [sflag:$0x1] =	stream.indirect_vreg.gather [hbm4b:s1+s3], $0x80, v4, vm0, $0xb8;
	[tilespmem:$0x8080] =	vst v63  }
0x58: {  	_ = 	snop  }
0x59: {  	[tilespmem:s21], [sflag:$0x1] =	stream.indirect_vreg.gather [hbm4b:s1+s3], $0x80, v3, vm0, $0xb8;
	[tilespmem:$0x8080] =	vst v63  }
0x5a: {  	v3 =	vld [tilespmem:$0x70];
	_ =	sdelay $0x4  }
0x5b: {  	v63 =	vshll.u32 v3, $0x1  }
0x5c: {  	v3 =	vand.u32 $0x7, v3;
	v4 =	vand.u32 $0xFFFFFFF0, v63  }
0x5d: {  	v3 =	vor.u32 v3, v4  }
0x5e: {  	v4 =	vperm.xlane v3, v0;
	_ =	sdelay $0x1  }
0x5f: {  	v3 =	vperm.xlane v3, v2;
	v4 =	vadd.s32 v1, v4;
	_ =	sdelay $0x1  }
0x60: {  	v3 =	vadd.s32 v1, v3;
	_ =	sdelay $0x2  }
0x61: {  	[tilespmem:s22], [sflag:$0x1] =	stream.indirect_vreg.gather [hbm4b:s1+s3], $0x80, v4, vm0, $0xb8;
	[tilespmem:$0x8080] =	vst v63  }
0x62: {  	_ = 	snop  }
0x63: {  	[tilespmem:s23], [sflag:$0x1] =	stream.indirect_vreg.gather [hbm4b:s1+s3], $0x80, v3, vm0, $0xb8;
	[tilespmem:$0x8080] =	vst v63  }
0x64: {  	_ =	swait.ge [sflag:s24], $0x8000  }
0x65: {  	p0 =	sne.s32 s6, $0x1;
	[sflag:s24] =	ssyncset.done $0x0  }
.Ltmp0:
0x66: {  	[sflag:s24] =	ssyncadd.s32 $0xFFFF8000;
	(pc) =	sbr.rel @p0 .LBB2_1-.Ltmp0, $4  }
0x67: {  	[hbm4b:s5+s3] =	stream.linear.scatter [tilespmem:s8], [sflag:$0x2], $0x8000, $0x38;
	[tilespmem:$0x8080] =	vst v63  }
0x68: {  	_ =	swait.ge [sflag:s7], $0x8000  }
0x69: {  	[sflag:s7] =	ssyncset.done $0x0  }
0x6a: {  	s6 =	sadd.s32 $0xFFFFFFFF, s6;
	[sflag:s7] =	ssyncadd.s32 $0xFFFF8000  }
0x6b: {  	_ =	sfence.sel $0x180000  }
0x6c: {  	[bflag:$0x0] =	sbarrier.arrive $0xFFFF  }
0x6d: {  	p0 =	sne.s32 s2, $0x0;
	_ =	strace $0x90000047  }
0x6e: {  	s0 =	sadd.s32 @!p0 $0x100000, s0;
	[bflag:$0x2] =	sbarrier.arrive $0xFFFF  }
0x6f: {  	[sflag:s0] =	ssyncadd.tile.s32 @!p0 $0x1;
	_ =	shalt  }
.Lfunc_end2:
_tile_overlayer_lowered:
.L_overlay_start_2:
0x70: {  	(tag) =	ssettag $0x2  }
0x71: {  	s0 =	rddreg [dreg:$0x0];
	s2 =	stileid.u32  }
0x72: {  	s1 =	rddreg [dreg:$0x1];
	p0 =	sne.s32 s2, $0x0  }
0x73: {  	s3 =	rddreg [dreg:$0x2];
	[bflag:$0x3] =	sbarrier.arrive $0xFFFF;
	s2 =	simm.s32 @!p0 $0x1C02  }
0x74: {  	[timem:s3], [sflag:s2] =	dma.local @!p0 [hbm:s0], s1  }
0x75: {  	s0 =	simm.s32 @!p0 $0x2  }
0x76: {  	_ =	swait.ge @!p0 [sflag:s0], s1  }
0x77: {  	s1 =	ssub.s32 @!p0 $0x0, s1;
	[sflag:s0] =	ssyncset.done @!p0 $0x0  }
0x78: {  	[sflag:s0] =	ssyncadd.s32 @!p0 s1  }
0x79: {  	[bflag:$0x3] =	sbarrier.arrive $0xFFFF  }
0x7a: {  	_ =	shalt  }

</sc_bundles>
